<compile_context>
chip_gen: v7x
topology: tpu7x:2x2x1
jax: 0.10.2.dev20260603
libtpu: 0.0.44.dev20260713+nightly
codegen_flags: <defaults>
</compile_context>

<pallas_src>
import functools

import jax
import jax.numpy as jnp
from jax import lax
from jax.experimental import pallas as pl
from jax.experimental.pallas import tpu as pltpu
from jax.experimental.pallas import tpu_sc as plsc

N = 16384
K = 8192
D = 64
TB = 256

_NC, _NS = 2, 16
_NW = _NC * _NS
_BPW = N // _NW
_CHUNK = 128


def _main_body(x_ref, w2_ref, w_ref, ids_ref, idx_ref, enc_ref):
    x = x_ref[...]
    mm = lax.dot_general(x, w_ref[...], (((1,), (1,)), ((), ())),
                         preferred_element_type=jnp.float32)
    x2 = jnp.sum(x * x, axis=1, keepdims=True)
    d = (x2 + w2_ref[...]) - 2.0 * mm
    m = jnp.min(d, axis=1, keepdims=True)
    ids = ids_ref[...]
    idf = jnp.min(jnp.where(d == m, ids, jnp.float32(K)),
                  axis=1, keepdims=True)
    oh = jnp.where(ids == idf, jnp.float32(1.0), jnp.float32(0.0))
    enc_ref[...] = oh
    idx_ref[...] = idf.astype(jnp.int32)


FB = 2048


def _fin_body(x_ref, q_ref, cnt2_ref, qst_ref, loss_ref, perp_ref, acc_ref):
    i = pl.program_id(0)
    x = x_ref[...]
    q = q_ref[...]
    qst_ref[...] = x + (q - x)
    dlt = q - x
    e = jnp.sum(jnp.sum(dlt * dlt, axis=1, keepdims=True), axis=0,
                keepdims=True)

    @pl.when(i == 0)
    def _():
        acc_ref[...] = e

    @pl.when(i > 0)
    def _():
        acc_ref[...] = acc_ref[...] + e

    @pl.when(i == N // FB - 1)
    def _():
        et = acc_ref[...] * (1.0 / (N * D))
        csc = cnt2_ref[0:1, :] + cnt2_ref[1:2, :]
        loss_ref[...] = et + 0.25 * et
        p = csc * (1.0 / N)
        eps = jnp.float32(jnp.finfo(jnp.float32).eps)
        ent = jnp.sum(p * jnp.log(p + eps), axis=1, keepdims=True)
        perp_ref[...] = jnp.exp(-ent)


@functools.cache
def _make_sc_gather():
    mesh = plsc.VectorSubcoreMesh(
        core_axis_name="c", subcore_axis_name="s",
        num_cores=_NC, num_subcores=_NS)

    @functools.partial(
        pl.kernel,
        mesh=mesh,
        out_type=[
            jax.ShapeDtypeStruct((N, D), jnp.float32),
            jax.ShapeDtypeStruct((_NC, K), jnp.float32),
        ],
        scratch_types=[
            pltpu.VMEM((_CHUNK,), jnp.int32),
            pltpu.VMEM((_CHUNK, D), jnp.float32),
            pltpu.SemaphoreType.DMA,
            pltpu.VMEM((K,), jnp.float32),
            pltpu.VMEM_SHARED((_NS, K), jnp.float32),
            pltpu.VMEM((K // _NS,), jnp.float32),
            pltpu.VMEM((K // _NS,), jnp.float32),
        ],
        compiler_params=pltpu.CompilerParams(
            use_tc_tiling_on_sc=False, needs_layout_passes=False),
    )
    def _sc_gather_kernel(weight_hbm, idx_hbm, quant_hbm, cnt2_hbm,
                          idx_v, rows_v, sem, bins, shared, tmp, acc):
        cid = lax.axis_index("c")
        sid = lax.axis_index("s")
        wid = sid * _NC + cid
        base = wid * _BPW

        def _zero(j, carry):
            bins[pl.ds(j * 16, 16)] = jnp.zeros((16,), jnp.float32)
            return carry

        lax.fori_loop(0, K // 16, _zero, 0)

        for j in range(_BPW // _CHUNK):
            off = base + j * _CHUNK
            pltpu.sync_copy(idx_hbm.at[pl.ds(off, _CHUNK)], idx_v)
            pltpu.async_copy(weight_hbm.at[idx_v], rows_v, sem).wait()
            pltpu.sync_copy(rows_v, quant_hbm.at[pl.ds(off, _CHUNK)])
            for c in range(_CHUNK // 16):
                iv = idx_v[pl.ds(c * 16, 16)]
                plsc.addupdate_scatter(bins, [iv],
                                       jnp.ones((16,), jnp.float32))

        plsc.subcore_barrier()
        pltpu.sync_copy(bins, shared.at[sid])
        plsc.subcore_barrier()

        w = K // _NS
        col = sid * w
        pltpu.sync_copy(shared.at[0, pl.ds(col, w)], acc)

        def _red(r, carry):
            pltpu.sync_copy(shared.at[r, pl.ds(col, w)], tmp)

            def _add(k2, c2):
                acc[pl.ds(k2 * 16, 16)] = (acc[pl.ds(k2 * 16, 16)]
                                           + tmp[pl.ds(k2 * 16, 16)])
                return c2

            lax.fori_loop(0, w // 16, _add, 0)
            return carry

        lax.fori_loop(1, _NS, _red, 0)
        pltpu.sync_copy(acc, cnt2_hbm.at[cid, pl.ds(col, w)])

    return _sc_gather_kernel


def _sc_gather(weight, idx):
    return _make_sc_gather()(weight, idx)


def _main_call(flat, w2, w, ids):
    return pl.pallas_call(
        _main_body,
        grid=(N // TB,),
        in_specs=[
            pl.BlockSpec((TB, D), lambda i: (i, 0)),
            pl.BlockSpec((1, K), lambda i: (0, 0)),
            pl.BlockSpec((K, D), lambda i: (0, 0)),
            pl.BlockSpec((1, K), lambda i: (0, 0)),
        ],
        out_specs=[
            pl.BlockSpec((TB, 1), lambda i: (i, 0)),
            pl.BlockSpec((TB, K), lambda i: (i, 0)),
        ],
        out_shape=[
            jax.ShapeDtypeStruct((N, 1), jnp.int32),
            jax.ShapeDtypeStruct((N, K), jnp.float32),
        ],
        compiler_params=pltpu.CompilerParams(
            dimension_semantics=("arbitrary",)),
    )(flat, w2, w, ids)


def _fin_call(flat, quant, cnt2):
    return pl.pallas_call(
        _fin_body,
        grid=(N // FB,),
        in_specs=[
            pl.BlockSpec((FB, D), lambda i: (i, 0)),
            pl.BlockSpec((FB, D), lambda i: (i, 0)),
            pl.BlockSpec((_NC, K), lambda i: (0, 0)),
        ],
        out_specs=[
            pl.BlockSpec((FB, D), lambda i: (i, 0)),
            pl.BlockSpec((1, 1), lambda i: (0, 0)),
            pl.BlockSpec((1, 1), lambda i: (0, 0)),
        ],
        out_shape=[
            jax.ShapeDtypeStruct((N, D), jnp.float32),
            jax.ShapeDtypeStruct((1, 1), jnp.float32),
            jax.ShapeDtypeStruct((1, 1), jnp.float32),
        ],
        scratch_shapes=[pltpu.VMEM((1, 1), jnp.float32)],
        compiler_params=pltpu.CompilerParams(
            dimension_semantics=("arbitrary",)),
    )(flat, quant, cnt2)


def kernel(inputs, weight):
    flat = inputs.reshape(N, D)
    w2 = jnp.sum(weight ** 2, axis=1)[None, :]
    ids = lax.iota(jnp.float32, K)[None, :]

    idx2d, enc = _main_call(flat, w2, weight, ids)
    quant, cnt2 = _sc_gather(weight, idx2d.reshape(N))
    qst, loss, perp = _fin_call(flat, quant, cnt2)
    return (loss[0, 0], qst.reshape(inputs.shape), perp[0, 0], enc)

# --- scband reference (transcript-rebuilt; emitter-appended) ---
"""Pipeline reference for scband-vector-quantizer-57595511439938 (READ-ONLY COPY).

The authoritative reference and input builder live on the scoring server;
editing this copy changes nothing except your own understanding.
"""

import jax, jax.numpy as jnp
import numpy as np

NUM_EMBEDDINGS = 8192
EMBEDDING_DIM = 64
COMMITMENT_COST = 0.25


def setup_inputs(seed: int = 0) -> dict:
    key = jax.random.key(seed)
    k1, k2 = jax.random.split(key)
    inputs = jax.random.normal(k1, (16, 32, 32, EMBEDDING_DIM), dtype=jnp.float32)
    weight = jax.random.uniform(
        k2, (NUM_EMBEDDINGS, EMBEDDING_DIM), dtype=jnp.float32,
        minval=-1.0 / NUM_EMBEDDINGS, maxval=1.0 / NUM_EMBEDDINGS)
    return {"inputs": inputs, "weight": weight}


def reference(inputs, weight):
    eps = jnp.finfo(inputs.dtype).eps
    flat_input = inputs.reshape(-1, EMBEDDING_DIM)
    distances = (
        jnp.sum(flat_input ** 2, axis=1, keepdims=True)
        + jnp.sum(weight ** 2, axis=1)
        - 2.0 * jnp.matmul(flat_input, weight.T)
    )
    encoding_indices = jnp.argmin(distances, axis=1)
    encodings = jax.nn.one_hot(encoding_indices, NUM_EMBEDDINGS, dtype=jnp.float32)
    quantized = jnp.matmul(encodings, weight).reshape(inputs.shape)
    e_latent_loss = jnp.mean((jax.lax.stop_gradient(quantized) - inputs) ** 2)
    q_latent_loss = jnp.mean((quantized - jax.lax.stop_gradient(inputs)) ** 2)
    loss = q_latent_loss + COMMITMENT_COST * e_latent_loss
    quantized_st = inputs + jax.lax.stop_gradient(quantized - inputs)
    avg_probs = jnp.mean(encodings, axis=0)
    perplexity = jnp.exp(-jnp.sum(avg_probs * jnp.log(avg_probs + eps)))
    return (loss, quantized_st, perplexity, encodings)

if __name__ == "__main__":
    import jax
    _d = setup_inputs()
    print(jax.jit(kernel)(*tuple(_d.values())))

</pallas_src>

<mosaic_0001>
#map = affine_map<(d0, d1) -> (0, 0)>
#map1 = affine_map<(d0, d1) -> (0)>
module attributes {stable_mosaic.version = 14 : i64} {
  func.func @_sc_gather_kernel(%arg0: i32, %arg1: i32, %arg2: memref<8192x64xf32, #tpu.memory_space<hbm>>, %arg3: memref<16384xi32, #tpu.memory_space<hbm>>, %arg4: memref<16384x64xf32, #tpu.memory_space<hbm>>, %arg5: memref<2x8192xf32, #tpu.memory_space<hbm>>, %arg6: memref<128xi32, #tpu.memory_space<vmem>>, %arg7: memref<128x64xf32, #tpu.memory_space<vmem>>, %arg8: memref<!tpu.dma_semaphore, #tpu.memory_space<semaphore_mem>>, %arg9: memref<8192xf32, #tpu.memory_space<vmem>>, %arg10: memref<16x8192xf32, #tpu.memory_space<vmem_shared>>, %arg11: memref<512xf32, #tpu.memory_space<vmem>>, %arg12: memref<512xf32, #tpu.memory_space<vmem>>) attributes {dimension_semantics = [#tpu.dimension_semantics<core_parallel>, #tpu.dimension_semantics<subcore_parallel>], iteration_bounds = array<i64: 2, 16>, scalar_prefetch = 0 : i64, scratch_operands = 7 : i64, tpu.core_type = #tpu.core_type<sc_vector_subcore>, window_params = [{transform_indices = #map}, {transform_indices = #map1}, {transform_indices = #map}, {transform_indices = #map}]} {
    %mul3A = arith.constant 2 : i32
    %mul3A_0 = arith.muli %arg1, %mul3A : i32
    %add3A = arith.addi %mul3A_0, %arg0 : i32
    %mul3A_1 = arith.constant 512 : i32
    %mul3A_2 = arith.muli %add3A, %mul3A_1 : i32
    %scan3A = arith.constant 0 : i32
    %scan3A_3 = arith.constant 0 : i32
    %scan3A_4 = arith.constant 512 : i32
    %scan3A_5 = arith.addi %scan3A_3, %scan3A_4 : i32
    %scan3A_6 = arith.constant 1 : i32
    scf.for %scan3A_173 = %scan3A_3 to %scan3A_5 step %scan3A_6  : i32 {
      %broadcast_in_dim3A_174 = arith.constant 0.000000e+00 : f32
      %broadcast_in_dim3A_175 = vector.broadcast %broadcast_in_dim3A_174 : f32 to vector<16xf32>
      %mul3A_176 = arith.constant 16 : i32
      %mul3A_177 = arith.muli %scan3A_173, %mul3A_176 : i32
      %swap3A = arith.index_cast %mul3A_177 : i32 to index
      %swap3A_178 = tpu.vector_load %arg9[%swap3A] {strides = array<i32>} : memref<8192xf32, #tpu.memory_space<vmem>>, vector<16xf32>,
      tpu.vector_store %arg9[%swap3A], %broadcast_in_dim3A_175 {strides = array<i32>} : memref<8192xf32, #tpu.memory_space<vmem>>, vector<16xf32>,
    }
    %scan3A_7 = arith.constant 512 : i32
    %add3A_8 = arith.constant 0 : i32
    %add3A_9 = arith.addi %mul3A_2, %add3A_8 : i32
    "tpu.region"() ({
      %run_scoped3A_173 = tpu.sem_alloc : memref<!tpu.dma_semaphore, #tpu.memory_space<semaphore_mem>>
      %dma_start3A_174 = tpu.memref_slice %arg3[%add3A_9] : memref<16384xi32, #tpu.memory_space<hbm>> -> memref<128xi32, #tpu.memory_space<hbm>>
      %dma_start3A_175 = tpu.memref_slice %arg3[%add3A_9] : memref<16384xi32, #tpu.memory_space<hbm>> -> memref<128xi32, #tpu.memory_space<hbm>>
      tpu.enqueue_dma source(%dma_start3A_175 : memref<128xi32, #tpu.memory_space<hbm>>) target(%arg6 : memref<128xi32, #tpu.memory_space<vmem>>) target_semaphore(%run_scoped3A_173 : memref<!tpu.dma_semaphore, #tpu.memory_space<semaphore_mem>>)
      %dma_wait3A_176 = tpu.memref_slice %arg3[%add3A_9] : memref<16384xi32, #tpu.memory_space<hbm>> -> memref<128xi32, #tpu.memory_space<hbm>>
      %dma_wait3A_177 = tpu.memref_slice %arg3[%add3A_9] : memref<16384xi32, #tpu.memory_space<hbm>> -> memref<128xi32, #tpu.memory_space<hbm>>
      tpu.wait_dma2 semaphore(%run_scoped3A_173 : memref<!tpu.dma_semaphore, #tpu.memory_space<semaphore_mem>>) src(%dma_wait3A_177 : memref<128xi32, #tpu.memory_space<hbm>>) dst(%arg6 : memref<128xi32, #tpu.memory_space<vmem>>)
      tpu.yield
    }) : () -> ()
    %dma_start3A = arith.constant 0 : i32
    %dma_start3A_10 = arith.constant 0 : i32
    %dma_start3A_11 = tpu.memref_slice %arg2[%dma_start3A, %dma_start3A_10] : memref<8192x64xf32, #tpu.memory_space<hbm>> -> memref<8192x64xf32, #tpu.memory_space<hbm>>
    tpu.enqueue_indirect_dma source(%dma_start3A_11 : memref<8192x64xf32, #tpu.memory_space<hbm>>) target(%arg7 : memref<128x64xf32, #tpu.memory_space<vmem>>) offsets(%arg6 : memref<128xi32, #tpu.memory_space<vmem>>) semaphore(%arg8 : memref<!tpu.dma_semaphore, #tpu.memory_space<semaphore_mem>>)
    %dma_wait3A = arith.constant 0 : i32
    %dma_wait3A_12 = arith.constant 0 : i32
    %dma_wait3A_13 = tpu.memref_slice %arg2[%dma_wait3A, %dma_wait3A_12] : memref<8192x64xf32, #tpu.memory_space<hbm>> -> memref<8192x64xf32, #tpu.memory_space<hbm>>
    tpu.wait_indirect_dma semaphore(%arg8 : memref<!tpu.dma_semaphore, #tpu.memory_space<semaphore_mem>>) src(%dma_wait3A_13 : memref<8192x64xf32, #tpu.memory_space<hbm>>) dst(%arg7 : memref<128x64xf32, #tpu.memory_space<vmem>>)
    "tpu.region"() ({
      %run_scoped3A_173 = tpu.sem_alloc : memref<!tpu.dma_semaphore, #tpu.memory_space<semaphore_mem>>
      %dma_start3A_174 = arith.constant 0 : i32
      %dma_start3A_175 = tpu.memref_slice %arg4[%add3A_9, %dma_start3A_174] : memref<16384x64xf32, #tpu.memory_space<hbm>> -> memref<128x64xf32, #tpu.memory_space<hbm>>
      %dma_start3A_176 = arith.constant 0 : i32
      %dma_start3A_177 = tpu.memref_slice %arg4[%add3A_9, %dma_start3A_176] : memref<16384x64xf32, #tpu.memory_space<hbm>> -> memref<128x64xf32, #tpu.memory_space<hbm>>
      tpu.enqueue_dma source(%arg7 : memref<128x64xf32, #tpu.memory_space<vmem>>) target(%dma_start3A_177 : memref<128x64xf32, #tpu.memory_space<hbm>>) target_semaphore(%run_scoped3A_173 : memref<!tpu.dma_semaphore, #tpu.memory_space<semaphore_mem>>)
      %dma_wait3A_178 = arith.constant 0 : i32
      %dma_wait3A_179 = tpu.memref_slice %arg4[%add3A_9, %dma_wait3A_178] : memref<16384x64xf32, #tpu.memory_space<hbm>> -> memref<128x64xf32, #tpu.memory_space<hbm>>
      %dma_wait3A_180 = arith.constant 0 : i32
      %dma_wait3A_181 = tpu.memref_slice %arg4[%add3A_9, %dma_wait3A_180] : memref<16384x64xf32, #tpu.memory_space<hbm>> -> memref<128x64xf32, #tpu.memory_space<hbm>>
      tpu.wait_dma2 semaphore(%run_scoped3A_173 : memref<!tpu.dma_semaphore, #tpu.memory_space<semaphore_mem>>) src(%arg7 : memref<128x64xf32, #tpu.memory_space<vmem>>) dst(%dma_wait3A_181 : memref<128x64xf32, #tpu.memory_space<hbm>>)
      tpu.yield
    }) : () -> ()
    %get3A = arith.constant 0 : index
    %get3A_14 = tpu.vector_load %arg6[%get3A] {strides = array<i32>} : memref<128xi32, #tpu.memory_space<vmem>>, vector<16xi32>,
    %broadcast_in_dim3A = arith.constant 1.000000e+00 : f32
    %broadcast_in_dim3A_15 = vector.broadcast %broadcast_in_dim3A : f32 to vector<16xf32>
    tpu.vector_store_idx %arg9[%get3A_14], %broadcast_in_dim3A_15 {add = true} : memref<8192xf32, #tpu.memory_space<vmem>>[vector<16xi32>], vector<16xf32>,
    %get3A_16 = arith.constant 16 : index
    %get3A_17 = tpu.vector_load %arg6[%get3A_16] {strides = array<i32>} : memref<128xi32, #tpu.memory_space<vmem>>, vector<16xi32>,
    %broadcast_in_dim3A_18 = arith.constant 1.000000e+00 : f32
    %broadcast_in_dim3A_19 = vector.broadcast %broadcast_in_dim3A_18 : f32 to vector<16xf32>
    tpu.vector_store_idx %arg9[%get3A_17], %broadcast_in_dim3A_19 {add = true} : memref<8192xf32, #tpu.memory_space<vmem>>[vector<16xi32>], vector<16xf32>,
    %get3A_20 = arith.constant 32 : index
    %get3A_21 = tpu.vector_load %arg6[%get3A_20] {strides = array<i32>} : memref<128xi32, #tpu.memory_space<vmem>>, vector<16xi32>,
    %broadcast_in_dim3A_22 = arith.constant 1.000000e+00 : f32
    %broadcast_in_dim3A_23 = vector.broadcast %broadcast_in_dim3A_22 : f32 to vector<16xf32>
    tpu.vector_store_idx %arg9[%get3A_21], %broadcast_in_dim3A_23 {add = true} : memref<8192xf32, #tpu.memory_space<vmem>>[vector<16xi32>], vector<16xf32>,
    %get3A_24 = arith.constant 48 : index
    %get3A_25 = tpu.vector_load %arg6[%get3A_24] {strides = array<i32>} : memref<128xi32, #tpu.memory_space<vmem>>, vector<16xi32>,
    %broadcast_in_dim3A_26 = arith.constant 1.000000e+00 : f32
    %broadcast_in_dim3A_27 = vector.broadcast %broadcast_in_dim3A_26 : f32 to vector<16xf32>
    tpu.vector_store_idx %arg9[%get3A_25], %broadcast_in_dim3A_27 {add = true} : memref<8192xf32, #tpu.memory_space<vmem>>[vector<16xi32>], vector<16xf32>,
    %get3A_28 = arith.constant 64 : index
    %get3A_29 = tpu.vector_load %arg6[%get3A_28] {strides = array<i32>} : memref<128xi32, #tpu.memory_space<vmem>>, vector<16xi32>,
    %broadcast_in_dim3A_30 = arith.constant 1.000000e+00 : f32
    %broadcast_in_dim3A_31 = vector.broadcast %broadcast_in_dim3A_30 : f32 to vector<16xf32>
    tpu.vector_store_idx %arg9[%get3A_29], %broadcast_in_dim3A_31 {add = true} : memref<8192xf32, #tpu.memory_space<vmem>>[vector<16xi32>], vector<16xf32>,
    %get3A_32 = arith.constant 80 : index
    %get3A_33 = tpu.vector_load %arg6[%get3A_32] {strides = array<i32>} : memref<128xi32, #tpu.memory_space<vmem>>, vector<16xi32>,
    %broadcast_in_dim3A_34 = arith.constant 1.000000e+00 : f32
    %broadcast_in_dim3A_35 = vector.broadcast %broadcast_in_dim3A_34 : f32 to vector<16xf32>
    tpu.vector_store_idx %arg9[%get3A_33], %broadcast_in_dim3A_35 {add = true} : memref<8192xf32, #tpu.memory_space<vmem>>[vector<16xi32>], vector<16xf32>,
    %get3A_36 = arith.constant 96 : index
    %get3A_37 = tpu.vector_load %arg6[%get3A_36] {strides = array<i32>} : memref<128xi32, #tpu.memory_space<vmem>>, vector<16xi32>,
    %broadcast_in_dim3A_38 = arith.constant 1.000000e+00 : f32
    %broadcast_in_dim3A_39 = vector.broadcast %broadcast_in_dim3A_38 : f32 to vector<16xf32>
    tpu.vector_store_idx %arg9[%get3A_37], %broadcast_in_dim3A_39 {add = true} : memref<8192xf32, #tpu.memory_space<vmem>>[vector<16xi32>], vector<16xf32>,
    %get3A_40 = arith.constant 112 : index
    %get3A_41 = tpu.vector_load %arg6[%get3A_40] {strides = array<i32>} : memref<128xi32, #tpu.memory_space<vmem>>, vector<16xi32>,
    %broadcast_in_dim3A_42 = arith.constant 1.000000e+00 : f32
    %broadcast_in_dim3A_43 = vector.broadcast %broadcast_in_dim3A_42 : f32 to vector<16xf32>
    tpu.vector_store_idx %arg9[%get3A_41], %broadcast_in_dim3A_43 {add = true} : memref<8192xf32, #tpu.memory_space<vmem>>[vector<16xi32>], vector<16xf32>,
    %add3A_44 = arith.constant 128 : i32
    %add3A_45 = arith.addi %mul3A_2, %add3A_44 : i32
    "tpu.region"() ({
      %run_scoped3A_173 = tpu.sem_alloc : memref<!tpu.dma_semaphore, #tpu.memory_space<semaphore_mem>>
      %dma_start3A_174 = tpu.memref_slice %arg3[%add3A_45] : memref<16384xi32, #tpu.memory_space<hbm>> -> memref<128xi32, #tpu.memory_space<hbm>>
      %dma_start3A_175 = tpu.memref_slice %arg3[%add3A_45] : memref<16384xi32, #tpu.memory_space<hbm>> -> memref<128xi32, #tpu.memory_space<hbm>>
      tpu.enqueue_dma source(%dma_start3A_175 : memref<128xi32, #tpu.memory_space<hbm>>) target(%arg6 : memref<128xi32, #tpu.memory_space<vmem>>) target_semaphore(%run_scoped3A_173 : memref<!tpu.dma_semaphore, #tpu.memory_space<semaphore_mem>>)
      %dma_wait3A_176 = tpu.memref_slice %arg3[%add3A_45] : memref<16384xi32, #tpu.memory_space<hbm>> -> memref<128xi32, #tpu.memory_space<hbm>>
      %dma_wait3A_177 = tpu.memref_slice %arg3[%add3A_45] : memref<16384xi32, #tpu.memory_space<hbm>> -> memref<128xi32, #tpu.memory_space<hbm>>
      tpu.wait_dma2 semaphore(%run_scoped3A_173 : memref<!tpu.dma_semaphore, #tpu.memory_space<semaphore_mem>>) src(%dma_wait3A_177 : memref<128xi32, #tpu.memory_space<hbm>>) dst(%arg6 : memref<128xi32, #tpu.memory_space<vmem>>)
      tpu.yield
    }) : () -> ()
    %dma_start3A_46 = arith.constant 0 : i32
    %dma_start3A_47 = arith.constant 0 : i32
    %dma_start3A_48 = tpu.memref_slice %arg2[%dma_start3A_46, %dma_start3A_47] : memref<8192x64xf32, #tpu.memory_space<hbm>> -> memref<8192x64xf32, #tpu.memory_space<hbm>>
    tpu.enqueue_indirect_dma source(%dma_start3A_48 : memref<8192x64xf32, #tpu.memory_space<hbm>>) target(%arg7 : memref<128x64xf32, #tpu.memory_space<vmem>>) offsets(%arg6 : memref<128xi32, #tpu.memory_space<vmem>>) semaphore(%arg8 : memref<!tpu.dma_semaphore, #tpu.memory_space<semaphore_mem>>)
    %dma_wait3A_49 = arith.constant 0 : i32
    %dma_wait3A_50 = arith.constant 0 : i32
    %dma_wait3A_51 = tpu.memref_slice %arg2[%dma_wait3A_49, %dma_wait3A_50] : memref<8192x64xf32, #tpu.memory_space<hbm>> -> memref<8192x64xf32, #tpu.memory_space<hbm>>
    tpu.wait_indirect_dma semaphore(%arg8 : memref<!tpu.dma_semaphore, #tpu.memory_space<semaphore_mem>>) src(%dma_wait3A_51 : memref<8192x64xf32, #tpu.memory_space<hbm>>) dst(%arg7 : memref<128x64xf32, #tpu.memory_space<vmem>>)
    "tpu.region"() ({
      %run_scoped3A_173 = tpu.sem_alloc : memref<!tpu.dma_semaphore, #tpu.memory_space<semaphore_mem>>
      %dma_start3A_174 = arith.constant 0 : i32
      %dma_start3A_175 = tpu.memref_slice %arg4[%add3A_45, %dma_start3A_174] : memref<16384x64xf32, #tpu.memory_space<hbm>> -> memref<128x64xf32, #tpu.memory_space<hbm>>
      %dma_start3A_176 = arith.constant 0 : i32
      %dma_start3A_177 = tpu.memref_slice %arg4[%add3A_45, %dma_start3A_176] : memref<16384x64xf32, #tpu.memory_space<hbm>> -> memref<128x64xf32, #tpu.memory_space<hbm>>
      tpu.enqueue_dma source(%arg7 : memref<128x64xf32, #tpu.memory_space<vmem>>) target(%dma_start3A_177 : memref<128x64xf32, #tpu.memory_space<hbm>>) target_semaphore(%run_scoped3A_173 : memref<!tpu.dma_semaphore, #tpu.memory_space<semaphore_mem>>)
      %dma_wait3A_178 = arith.constant 0 : i32
      %dma_wait3A_179 = tpu.memref_slice %arg4[%add3A_45, %dma_wait3A_178] : memref<16384x64xf32, #tpu.memory_space<hbm>> -> memref<128x64xf32, #tpu.memory_space<hbm>>
      %dma_wait3A_180 = arith.constant 0 : i32
      %dma_wait3A_181 = tpu.memref_slice %arg4[%add3A_45, %dma_wait3A_180] : memref<16384x64xf32, #tpu.memory_space<hbm>> -> memref<128x64xf32, #tpu.memory_space<hbm>>
      tpu.wait_dma2 semaphore(%run_scoped3A_173 : memref<!tpu.dma_semaphore, #tpu.memory_space<semaphore_mem>>) src(%arg7 : memref<128x64xf32, #tpu.memory_space<vmem>>) dst(%dma_wait3A_181 : memref<128x64xf32, #tpu.memory_space<hbm>>)
      tpu.yield
    }) : () -> ()
    %get3A_52 = arith.constant 0 : index
    %get3A_53 = tpu.vector_load %arg6[%get3A_52] {strides = array<i32>} : memref<128xi32, #tpu.memory_space<vmem>>, vector<16xi32>,
    %broadcast_in_dim3A_54 = arith.constant 1.000000e+00 : f32
    %broadcast_in_dim3A_55 = vector.broadcast %broadcast_in_dim3A_54 : f32 to vector<16xf32>
    tpu.vector_store_idx %arg9[%get3A_53], %broadcast_in_dim3A_55 {add = true} : memref<8192xf32, #tpu.memory_space<vmem>>[vector<16xi32>], vector<16xf32>,
    %get3A_56 = arith.constant 16 : index
    %get3A_57 = tpu.vector_load %arg6[%get3A_56] {strides = array<i32>} : memref<128xi32, #tpu.memory_space<vmem>>, vector<16xi32>,
    %broadcast_in_dim3A_58 = arith.constant 1.000000e+00 : f32
    %broadcast_in_dim3A_59 = vector.broadcast %broadcast_in_dim3A_58 : f32 to vector<16xf32>
    tpu.vector_store_idx %arg9[%get3A_57], %broadcast_in_dim3A_59 {add = true} : memref<8192xf32, #tpu.memory_space<vmem>>[vector<16xi32>], vector<16xf32>,
    %get3A_60 = arith.constant 32 : index
    %get3A_61 = tpu.vector_load %arg6[%get3A_60] {strides = array<i32>} : memref<128xi32, #tpu.memory_space<vmem>>, vector<16xi32>,
    %broadcast_in_dim3A_62 = arith.constant 1.000000e+00 : f32
    %broadcast_in_dim3A_63 = vector.broadcast %broadcast_in_dim3A_62 : f32 to vector<16xf32>
    tpu.vector_store_idx %arg9[%get3A_61], %broadcast_in_dim3A_63 {add = true} : memref<8192xf32, #tpu.memory_space<vmem>>[vector<16xi32>], vector<16xf32>,
    %get3A_64 = arith.constant 48 : index
    %get3A_65 = tpu.vector_load %arg6[%get3A_64] {strides = array<i32>} : memref<128xi32, #tpu.memory_space<vmem>>, vector<16xi32>,
    %broadcast_in_dim3A_66 = arith.constant 1.000000e+00 : f32
    %broadcast_in_dim3A_67 = vector.broadcast %broadcast_in_dim3A_66 : f32 to vector<16xf32>
    tpu.vector_store_idx %arg9[%get3A_65], %broadcast_in_dim3A_67 {add = true} : memref<8192xf32, #tpu.memory_space<vmem>>[vector<16xi32>], vector<16xf32>,
    %get3A_68 = arith.constant 64 : index
    %get3A_69 = tpu.vector_load %arg6[%get3A_68] {strides = array<i32>} : memref<128xi32, #tpu.memory_space<vmem>>, vector<16xi32>,
    %broadcast_in_dim3A_70 = arith.constant 1.000000e+00 : f32
    %broadcast_in_dim3A_71 = vector.broadcast %broadcast_in_dim3A_70 : f32 to vector<16xf32>
    tpu.vector_store_idx %arg9[%get3A_69], %broadcast_in_dim3A_71 {add = true} : memref<8192xf32, #tpu.memory_space<vmem>>[vector<16xi32>], vector<16xf32>,
    %get3A_72 = arith.constant 80 : index
    %get3A_73 = tpu.vector_load %arg6[%get3A_72] {strides = array<i32>} : memref<128xi32, #tpu.memory_space<vmem>>, vector<16xi32>,
    %broadcast_in_dim3A_74 = arith.constant 1.000000e+00 : f32
    %broadcast_in_dim3A_75 = vector.broadcast %broadcast_in_dim3A_74 : f32 to vector<16xf32>
    tpu.vector_store_idx %arg9[%get3A_73], %broadcast_in_dim3A_75 {add = true} : memref<8192xf32, #tpu.memory_space<vmem>>[vector<16xi32>], vector<16xf32>,
    %get3A_76 = arith.constant 96 : index
    %get3A_77 = tpu.vector_load %arg6[%get3A_76] {strides = array<i32>} : memref<128xi32, #tpu.memory_space<vmem>>, vector<16xi32>,
    %broadcast_in_dim3A_78 = arith.constant 1.000000e+00 : f32
    %broadcast_in_dim3A_79 = vector.broadcast %broadcast_in_dim3A_78 : f32 to vector<16xf32>
    tpu.vector_store_idx %arg9[%get3A_77], %broadcast_in_dim3A_79 {add = true} : memref<8192xf32, #tpu.memory_space<vmem>>[vector<16xi32>], vector<16xf32>,
    %get3A_80 = arith.constant 112 : index
    %get3A_81 = tpu.vector_load %arg6[%get3A_80] {strides = array<i32>} : memref<128xi32, #tpu.memory_space<vmem>>, vector<16xi32>,
    %broadcast_in_dim3A_82 = arith.constant 1.000000e+00 : f32
    %broadcast_in_dim3A_83 = vector.broadcast %broadcast_in_dim3A_82 : f32 to vector<16xf32>
    tpu.vector_store_idx %arg9[%get3A_81], %broadcast_in_dim3A_83 {add = true} : memref<8192xf32, #tpu.memory_space<vmem>>[vector<16xi32>], vector<16xf32>,
    %add3A_84 = arith.constant 256 : i32
    %add3A_85 = arith.addi %mul3A_2, %add3A_84 : i32
    "tpu.region"() ({
      %run_scoped3A_173 = tpu.sem_alloc : memref<!tpu.dma_semaphore, #tpu.memory_space<semaphore_mem>>
      %dma_start3A_174 = tpu.memref_slice %arg3[%add3A_85] : memref<16384xi32, #tpu.memory_space<hbm>> -> memref<128xi32, #tpu.memory_space<hbm>>
      %dma_start3A_175 = tpu.memref_slice %arg3[%add3A_85] : memref<16384xi32, #tpu.memory_space<hbm>> -> memref<128xi32, #tpu.memory_space<hbm>>
      tpu.enqueue_dma source(%dma_start3A_175 : memref<128xi32, #tpu.memory_space<hbm>>) target(%arg6 : memref<128xi32, #tpu.memory_space<vmem>>) target_semaphore(%run_scoped3A_173 : memref<!tpu.dma_semaphore, #tpu.memory_space<semaphore_mem>>)
      %dma_wait3A_176 = tpu.memref_slice %arg3[%add3A_85] : memref<16384xi32, #tpu.memory_space<hbm>> -> memref<128xi32, #tpu.memory_space<hbm>>
      %dma_wait3A_177 = tpu.memref_slice %arg3[%add3A_85] : memref<16384xi32, #tpu.memory_space<hbm>> -> memref<128xi32, #tpu.memory_space<hbm>>
      tpu.wait_dma2 semaphore(%run_scoped3A_173 : memref<!tpu.dma_semaphore, #tpu.memory_space<semaphore_mem>>) src(%dma_wait3A_177 : memref<128xi32, #tpu.memory_space<hbm>>) dst(%arg6 : memref<128xi32, #tpu.memory_space<vmem>>)
      tpu.yield
    }) : () -> ()
    %dma_start3A_86 = arith.constant 0 : i32
    %dma_start3A_87 = arith.constant 0 : i32
    %dma_start3A_88 = tpu.memref_slice %arg2[%dma_start3A_86, %dma_start3A_87] : memref<8192x64xf32, #tpu.memory_space<hbm>> -> memref<8192x64xf32, #tpu.memory_space<hbm>>
    tpu.enqueue_indirect_dma source(%dma_start3A_88 : memref<8192x64xf32, #tpu.memory_space<hbm>>) target(%arg7 : memref<128x64xf32, #tpu.memory_space<vmem>>) offsets(%arg6 : memref<128xi32, #tpu.memory_space<vmem>>) semaphore(%arg8 : memref<!tpu.dma_semaphore, #tpu.memory_space<semaphore_mem>>)
    %dma_wait3A_89 = arith.constant 0 : i32
    %dma_wait3A_90 = arith.constant 0 : i32
    %dma_wait3A_91 = tpu.memref_slice %arg2[%dma_wait3A_89, %dma_wait3A_90] : memref<8192x64xf32, #tpu.memory_space<hbm>> -> memref<8192x64xf32, #tpu.memory_space<hbm>>
    tpu.wait_indirect_dma semaphore(%arg8 : memref<!tpu.dma_semaphore, #tpu.memory_space<semaphore_mem>>) src(%dma_wait3A_91 : memref<8192x64xf32, #tpu.memory_space<hbm>>) dst(%arg7 : memref<128x64xf32, #tpu.memory_space<vmem>>)
    "tpu.region"() ({
      %run_scoped3A_173 = tpu.sem_alloc : memref<!tpu.dma_semaphore, #tpu.memory_space<semaphore_mem>>
      %dma_start3A_174 = arith.constant 0 : i32
      %dma_start3A_175 = tpu.memref_slice %arg4[%add3A_85, %dma_start3A_174] : memref<16384x64xf32, #tpu.memory_space<hbm>> -> memref<128x64xf32, #tpu.memory_space<hbm>>
      %dma_start3A_176 = arith.constant 0 : i32
      %dma_start3A_177 = tpu.memref_slice %arg4[%add3A_85, %dma_start3A_176] : memref<16384x64xf32, #tpu.memory_space<hbm>> -> memref<128x64xf32, #tpu.memory_space<hbm>>
      tpu.enqueue_dma source(%arg7 : memref<128x64xf32, #tpu.memory_space<vmem>>) target(%dma_start3A_177 : memref<128x64xf32, #tpu.memory_space<hbm>>) target_semaphore(%run_scoped3A_173 : memref<!tpu.dma_semaphore, #tpu.memory_space<semaphore_mem>>)
      %dma_wait3A_178 = arith.constant 0 : i32
      %dma_wait3A_179 = tpu.memref_slice %arg4[%add3A_85, %dma_wait3A_178] : memref<16384x64xf32, #tpu.memory_space<hbm>> -> memref<128x64xf32, #tpu.memory_space<hbm>>
      %dma_wait3A_180 = arith.constant 0 : i32
      %dma_wait3A_181 = tpu.memref_slice %arg4[%add3A_85, %dma_wait3A_180] : memref<16384x64xf32, #tpu.memory_space<hbm>> -> memref<128x64xf32, #tpu.memory_space<hbm>>
      tpu.wait_dma2 semaphore(%run_scoped3A_173 : memref<!tpu.dma_semaphore, #tpu.memory_space<semaphore_mem>>) src(%arg7 : memref<128x64xf32, #tpu.memory_space<vmem>>) dst(%dma_wait3A_181 : memref<128x64xf32, #tpu.memory_space<hbm>>)
      tpu.yield
    }) : () -> ()
    %get3A_92 = arith.constant 0 : index
    %get3A_93 = tpu.vector_load %arg6[%get3A_92] {strides = array<i32>} : memref<128xi32, #tpu.memory_space<vmem>>, vector<16xi32>,
    %broadcast_in_dim3A_94 = arith.constant 1.000000e+00 : f32
    %broadcast_in_dim3A_95 = vector.broadcast %broadcast_in_dim3A_94 : f32 to vector<16xf32>
    tpu.vector_store_idx %arg9[%get3A_93], %broadcast_in_dim3A_95 {add = true} : memref<8192xf32, #tpu.memory_space<vmem>>[vector<16xi32>], vector<16xf32>,
    %get3A_96 = arith.constant 16 : index
    %get3A_97 = tpu.vector_load %arg6[%get3A_96] {strides = array<i32>} : memref<128xi32, #tpu.memory_space<vmem>>, vector<16xi32>,
    %broadcast_in_dim3A_98 = arith.constant 1.000000e+00 : f32
    %broadcast_in_dim3A_99 = vector.broadcast %broadcast_in_dim3A_98 : f32 to vector<16xf32>
    tpu.vector_store_idx %arg9[%get3A_97], %broadcast_in_dim3A_99 {add = true} : memref<8192xf32, #tpu.memory_space<vmem>>[vector<16xi32>], vector<16xf32>,
    %get3A_100 = arith.constant 32 : index
    %get3A_101 = tpu.vector_load %arg6[%get3A_100] {strides = array<i32>} : memref<128xi32, #tpu.memory_space<vmem>>, vector<16xi32>,
    %broadcast_in_dim3A_102 = arith.constant 1.000000e+00 : f32
    %broadcast_in_dim3A_103 = vector.broadcast %broadcast_in_dim3A_102 : f32 to vector<16xf32>
    tpu.vector_store_idx %arg9[%get3A_101], %broadcast_in_dim3A_103 {add = true} : memref<8192xf32, #tpu.memory_space<vmem>>[vector<16xi32>], vector<16xf32>,
    %get3A_104 = arith.constant 48 : index
    %get3A_105 = tpu.vector_load %arg6[%get3A_104] {strides = array<i32>} : memref<128xi32, #tpu.memory_space<vmem>>, vector<16xi32>,
    %broadcast_in_dim3A_106 = arith.constant 1.000000e+00 : f32
    %broadcast_in_dim3A_107 = vector.broadcast %broadcast_in_dim3A_106 : f32 to vector<16xf32>
    tpu.vector_store_idx %arg9[%get3A_105], %broadcast_in_dim3A_107 {add = true} : memref<8192xf32, #tpu.memory_space<vmem>>[vector<16xi32>], vector<16xf32>,
    %get3A_108 = arith.constant 64 : index
    %get3A_109 = tpu.vector_load %arg6[%get3A_108] {strides = array<i32>} : memref<128xi32, #tpu.memory_space<vmem>>, vector<16xi32>,
    %broadcast_in_dim3A_110 = arith.constant 1.000000e+00 : f32
    %broadcast_in_dim3A_111 = vector.broadcast %broadcast_in_dim3A_110 : f32 to vector<16xf32>
    tpu.vector_store_idx %arg9[%get3A_109], %broadcast_in_dim3A_111 {add = true} : memref<8192xf32, #tpu.memory_space<vmem>>[vector<16xi32>], vector<16xf32>,
    %get3A_112 = arith.constant 80 : index
    %get3A_113 = tpu.vector_load %arg6[%get3A_112] {strides = array<i32>} : memref<128xi32, #tpu.memory_space<vmem>>, vector<16xi32>,
    %broadcast_in_dim3A_114 = arith.constant 1.000000e+00 : f32
    %broadcast_in_dim3A_115 = vector.broadcast %broadcast_in_dim3A_114 : f32 to vector<16xf32>
    tpu.vector_store_idx %arg9[%get3A_113], %broadcast_in_dim3A_115 {add = true} : memref<8192xf32, #tpu.memory_space<vmem>>[vector<16xi32>], vector<16xf32>,
    %get3A_116 = arith.constant 96 : index
    %get3A_117 = tpu.vector_load %arg6[%get3A_116] {strides = array<i32>} : memref<128xi32, #tpu.memory_space<vmem>>, vector<16xi32>,
    %broadcast_in_dim3A_118 = arith.constant 1.000000e+00 : f32
    %broadcast_in_dim3A_119 = vector.broadcast %broadcast_in_dim3A_118 : f32 to vector<16xf32>
    tpu.vector_store_idx %arg9[%get3A_117], %broadcast_in_dim3A_119 {add = true} : memref<8192xf32, #tpu.memory_space<vmem>>[vector<16xi32>], vector<16xf32>,
    %get3A_120 = arith.constant 112 : index
    %get3A_121 = tpu.vector_load %arg6[%get3A_120] {strides = array<i32>} : memref<128xi32, #tpu.memory_space<vmem>>, vector<16xi32>,
    %broadcast_in_dim3A_122 = arith.constant 1.000000e+00 : f32
    %broadcast_in_dim3A_123 = vector.broadcast %broadcast_in_dim3A_122 : f32 to vector<16xf32>
    tpu.vector_store_idx %arg9[%get3A_121], %broadcast_in_dim3A_123 {add = true} : memref<8192xf32, #tpu.memory_space<vmem>>[vector<16xi32>], vector<16xf32>,
    %add3A_124 = arith.constant 384 : i32
    %add3A_125 = arith.addi %mul3A_2, %add3A_124 : i32
    "tpu.region"() ({
      %run_scoped3A_173 = tpu.sem_alloc : memref<!tpu.dma_semaphore, #tpu.memory_space<semaphore_mem>>
      %dma_start3A_174 = tpu.memref_slice %arg3[%add3A_125] : memref<16384xi32, #tpu.memory_space<hbm>> -> memref<128xi32, #tpu.memory_space<hbm>>
      %dma_start3A_175 = tpu.memref_slice %arg3[%add3A_125] : memref<16384xi32, #tpu.memory_space<hbm>> -> memref<128xi32, #tpu.memory_space<hbm>>
      tpu.enqueue_dma source(%dma_start3A_175 : memref<128xi32, #tpu.memory_space<hbm>>) target(%arg6 : memref<128xi32, #tpu.memory_space<vmem>>) target_semaphore(%run_scoped3A_173 : memref<!tpu.dma_semaphore, #tpu.memory_space<semaphore_mem>>)
      %dma_wait3A_176 = tpu.memref_slice %arg3[%add3A_125] : memref<16384xi32, #tpu.memory_space<hbm>> -> memref<128xi32, #tpu.memory_space<hbm>>
      %dma_wait3A_177 = tpu.memref_slice %arg3[%add3A_125] : memref<16384xi32, #tpu.memory_space<hbm>> -> memref<128xi32, #tpu.memory_space<hbm>>
      tpu.wait_dma2 semaphore(%run_scoped3A_173 : memref<!tpu.dma_semaphore, #tpu.memory_space<semaphore_mem>>) src(%dma_wait3A_177 : memref<128xi32, #tpu.memory_space<hbm>>) dst(%arg6 : memref<128xi32, #tpu.memory_space<vmem>>)
      tpu.yield
    }) : () -> ()
    %dma_start3A_126 = arith.constant 0 : i32
    %dma_start3A_127 = arith.constant 0 : i32
    %dma_start3A_128 = tpu.memref_slice %arg2[%dma_start3A_126, %dma_start3A_127] : memref<8192x64xf32, #tpu.memory_space<hbm>> -> memref<8192x64xf32, #tpu.memory_space<hbm>>
    tpu.enqueue_indirect_dma source(%dma_start3A_128 : memref<8192x64xf32, #tpu.memory_space<hbm>>) target(%arg7 : memref<128x64xf32, #tpu.memory_space<vmem>>) offsets(%arg6 : memref<128xi32, #tpu.memory_space<vmem>>) semaphore(%arg8 : memref<!tpu.dma_semaphore, #tpu.memory_space<semaphore_mem>>)
    %dma_wait3A_129 = arith.constant 0 : i32
    %dma_wait3A_130 = arith.constant 0 : i32
    %dma_wait3A_131 = tpu.memref_slice %arg2[%dma_wait3A_129, %dma_wait3A_130] : memref<8192x64xf32, #tpu.memory_space<hbm>> -> memref<8192x64xf32, #tpu.memory_space<hbm>>
    tpu.wait_indirect_dma semaphore(%arg8 : memref<!tpu.dma_semaphore, #tpu.memory_space<semaphore_mem>>) src(%dma_wait3A_131 : memref<8192x64xf32, #tpu.memory_space<hbm>>) dst(%arg7 : memref<128x64xf32, #tpu.memory_space<vmem>>)
    "tpu.region"() ({
      %run_scoped3A_173 = tpu.sem_alloc : memref<!tpu.dma_semaphore, #tpu.memory_space<semaphore_mem>>
      %dma_start3A_174 = arith.constant 0 : i32
      %dma_start3A_175 = tpu.memref_slice %arg4[%add3A_125, %dma_start3A_174] : memref<16384x64xf32, #tpu.memory_space<hbm>> -> memref<128x64xf32, #tpu.memory_space<hbm>>
      %dma_start3A_176 = arith.constant 0 : i32
      %dma_start3A_177 = tpu.memref_slice %arg4[%add3A_125, %dma_start3A_176] : memref<16384x64xf32, #tpu.memory_space<hbm>> -> memref<128x64xf32, #tpu.memory_space<hbm>>
      tpu.enqueue_dma source(%arg7 : memref<128x64xf32, #tpu.memory_space<vmem>>) target(%dma_start3A_177 : memref<128x64xf32, #tpu.memory_space<hbm>>) target_semaphore(%run_scoped3A_173 : memref<!tpu.dma_semaphore, #tpu.memory_space<semaphore_mem>>)
      %dma_wait3A_178 = arith.constant 0 : i32
      %dma_wait3A_179 = tpu.memref_slice %arg4[%add3A_125, %dma_wait3A_178] : memref<16384x64xf32, #tpu.memory_space<hbm>> -> memref<128x64xf32, #tpu.memory_space<hbm>>
      %dma_wait3A_180 = arith.constant 0 : i32
      %dma_wait3A_181 = tpu.memref_slice %arg4[%add3A_125, %dma_wait3A_180] : memref<16384x64xf32, #tpu.memory_space<hbm>> -> memref<128x64xf32, #tpu.memory_space<hbm>>
      tpu.wait_dma2 semaphore(%run_scoped3A_173 : memref<!tpu.dma_semaphore, #tpu.memory_space<semaphore_mem>>) src(%arg7 : memref<128x64xf32, #tpu.memory_space<vmem>>) dst(%dma_wait3A_181 : memref<128x64xf32, #tpu.memory_space<hbm>>)
      tpu.yield
    }) : () -> ()
    %get3A_132 = arith.constant 0 : index
    %get3A_133 = tpu.vector_load %arg6[%get3A_132] {strides = array<i32>} : memref<128xi32, #tpu.memory_space<vmem>>, vector<16xi32>,
    %broadcast_in_dim3A_134 = arith.constant 1.000000e+00 : f32
    %broadcast_in_dim3A_135 = vector.broadcast %broadcast_in_dim3A_134 : f32 to vector<16xf32>
    tpu.vector_store_idx %arg9[%get3A_133], %broadcast_in_dim3A_135 {add = true} : memref<8192xf32, #tpu.memory_space<vmem>>[vector<16xi32>], vector<16xf32>,
    %get3A_136 = arith.constant 16 : index
    %get3A_137 = tpu.vector_load %arg6[%get3A_136] {strides = array<i32>} : memref<128xi32, #tpu.memory_space<vmem>>, vector<16xi32>,
    %broadcast_in_dim3A_138 = arith.constant 1.000000e+00 : f32
    %broadcast_in_dim3A_139 = vector.broadcast %broadcast_in_dim3A_138 : f32 to vector<16xf32>
    tpu.vector_store_idx %arg9[%get3A_137], %broadcast_in_dim3A_139 {add = true} : memref<8192xf32, #tpu.memory_space<vmem>>[vector<16xi32>], vector<16xf32>,
    %get3A_140 = arith.constant 32 : index
    %get3A_141 = tpu.vector_load %arg6[%get3A_140] {strides = array<i32>} : memref<128xi32, #tpu.memory_space<vmem>>, vector<16xi32>,
    %broadcast_in_dim3A_142 = arith.constant 1.000000e+00 : f32
    %broadcast_in_dim3A_143 = vector.broadcast %broadcast_in_dim3A_142 : f32 to vector<16xf32>
    tpu.vector_store_idx %arg9[%get3A_141], %broadcast_in_dim3A_143 {add = true} : memref<8192xf32, #tpu.memory_space<vmem>>[vector<16xi32>], vector<16xf32>,
    %get3A_144 = arith.constant 48 : index
    %get3A_145 = tpu.vector_load %arg6[%get3A_144] {strides = array<i32>} : memref<128xi32, #tpu.memory_space<vmem>>, vector<16xi32>,
    %broadcast_in_dim3A_146 = arith.constant 1.000000e+00 : f32
    %broadcast_in_dim3A_147 = vector.broadcast %broadcast_in_dim3A_146 : f32 to vector<16xf32>
    tpu.vector_store_idx %arg9[%get3A_145], %broadcast_in_dim3A_147 {add = true} : memref<8192xf32, #tpu.memory_space<vmem>>[vector<16xi32>], vector<16xf32>,
    %get3A_148 = arith.constant 64 : index
    %get3A_149 = tpu.vector_load %arg6[%get3A_148] {strides = array<i32>} : memref<128xi32, #tpu.memory_space<vmem>>, vector<16xi32>,
    %broadcast_in_dim3A_150 = arith.constant 1.000000e+00 : f32
    %broadcast_in_dim3A_151 = vector.broadcast %broadcast_in_dim3A_150 : f32 to vector<16xf32>
    tpu.vector_store_idx %arg9[%get3A_149], %broadcast_in_dim3A_151 {add = true} : memref<8192xf32, #tpu.memory_space<vmem>>[vector<16xi32>], vector<16xf32>,
    %get3A_152 = arith.constant 80 : index
    %get3A_153 = tpu.vector_load %arg6[%get3A_152] {strides = array<i32>} : memref<128xi32, #tpu.memory_space<vmem>>, vector<16xi32>,
    %broadcast_in_dim3A_154 = arith.constant 1.000000e+00 : f32
    %broadcast_in_dim3A_155 = vector.broadcast %broadcast_in_dim3A_154 : f32 to vector<16xf32>
    tpu.vector_store_idx %arg9[%get3A_153], %broadcast_in_dim3A_155 {add = true} : memref<8192xf32, #tpu.memory_space<vmem>>[vector<16xi32>], vector<16xf32>,
    %get3A_156 = arith.constant 96 : index
    %get3A_157 = tpu.vector_load %arg6[%get3A_156] {strides = array<i32>} : memref<128xi32, #tpu.memory_space<vmem>>, vector<16xi32>,
    %broadcast_in_dim3A_158 = arith.constant 1.000000e+00 : f32
    %broadcast_in_dim3A_159 = vector.broadcast %broadcast_in_dim3A_158 : f32 to vector<16xf32>
    tpu.vector_store_idx %arg9[%get3A_157], %broadcast_in_dim3A_159 {add = true} : memref<8192xf32, #tpu.memory_space<vmem>>[vector<16xi32>], vector<16xf32>,
    %get3A_160 = arith.constant 112 : index
    %get3A_161 = tpu.vector_load %arg6[%get3A_160] {strides = array<i32>} : memref<128xi32, #tpu.memory_space<vmem>>, vector<16xi32>,
    %broadcast_in_dim3A_162 = arith.constant 1.000000e+00 : f32
    %broadcast_in_dim3A_163 = vector.broadcast %broadcast_in_dim3A_162 : f32 to vector<16xf32>
    tpu.vector_store_idx %arg9[%get3A_161], %broadcast_in_dim3A_163 {add = true} : memref<8192xf32, #tpu.memory_space<vmem>>[vector<16xi32>], vector<16xf32>,
    %barrier3A = arith.constant 0 : index
    tpu.barrier barrier_id(%barrier3A)
    "tpu.region"() ({
      %run_scoped3A_173 = tpu.sem_alloc : memref<!tpu.dma_semaphore, #tpu.memory_space<semaphore_mem>>
      %dma_start3A_174 = arith.constant 0 : i32
      %dma_start3A_175 = tpu.memref_slice %arg10[%arg1, %dma_start3A_174] : memref<16x8192xf32, #tpu.memory_space<vmem_shared>> -> memref<1x8192xf32, #tpu.memory_space<vmem_shared>>
      %dma_start3A_176 = tpu.memref_squeeze %dma_start3A_175 : memref<1x8192xf32, #tpu.memory_space<vmem_shared>> -> memref<8192xf32, #tpu.memory_space<vmem_shared>>
      %dma_start3A_177 = arith.constant 0 : i32
      %dma_start3A_178 = tpu.memref_slice %arg10[%arg1, %dma_start3A_177] : memref<16x8192xf32, #tpu.memory_space<vmem_shared>> -> memref<1x8192xf32, #tpu.memory_space<vmem_shared>>
      %dma_start3A_179 = tpu.memref_squeeze %dma_start3A_178 : memref<1x8192xf32, #tpu.memory_space<vmem_shared>> -> memref<8192xf32, #tpu.memory_space<vmem_shared>>
      tpu.enqueue_dma source(%arg9 : memref<8192xf32, #tpu.memory_space<vmem>>) target(%dma_start3A_179 : memref<8192xf32, #tpu.memory_space<vmem_shared>>) target_semaphore(%run_scoped3A_173 : memref<!tpu.dma_semaphore, #tpu.memory_space<semaphore_mem>>)
      %dma_wait3A_180 = arith.constant 0 : i32
      %dma_wait3A_181 = tpu.memref_slice %arg10[%arg1, %dma_wait3A_180] : memref<16x8192xf32, #tpu.memory_space<vmem_shared>> -> memref<1x8192xf32, #tpu.memory_space<vmem_shared>>
      %dma_wait3A_182 = tpu.memref_squeeze %dma_wait3A_181 : memref<1x8192xf32, #tpu.memory_space<vmem_shared>> -> memref<8192xf32, #tpu.memory_space<vmem_shared>>
      %dma_wait3A_183 = arith.constant 0 : i32
      %dma_wait3A_184 = tpu.memref_slice %arg10[%arg1, %dma_wait3A_183] : memref<16x8192xf32, #tpu.memory_space<vmem_shared>> -> memref<1x8192xf32, #tpu.memory_space<vmem_shared>>
      %dma_wait3A_185 = tpu.memref_squeeze %dma_wait3A_184 : memref<1x8192xf32, #tpu.memory_space<vmem_shared>> -> memref<8192xf32, #tpu.memory_space<vmem_shared>>
      tpu.wait_dma2 semaphore(%run_scoped3A_173 : memref<!tpu.dma_semaphore, #tpu.memory_space<semaphore_mem>>) src(%arg9 : memref<8192xf32, #tpu.memory_space<vmem>>) dst(%dma_wait3A_185 : memref<8192xf32, #tpu.memory_space<vmem_shared>>)
      tpu.yield
    }) : () -> ()
    %barrier3A_164 = arith.constant 0 : index
    tpu.barrier barrier_id(%barrier3A_164)
    %mul3A_165 = arith.constant 512 : i32
    %mul3A_166 = arith.muli %arg1, %mul3A_165 : i32
    %run_scoped3A = arith.constant 0 : i32
    "tpu.region"() ({
      %run_scoped3A_173 = tpu.sem_alloc : memref<!tpu.dma_semaphore, #tpu.memory_space<semaphore_mem>>
      %dma_start3A_174 = tpu.memref_slice %arg10[%run_scoped3A, %mul3A_166] : memref<16x8192xf32, #tpu.memory_space<vmem_shared>> -> memref<1x512xf32, #tpu.memory_space<vmem_shared>>
      %dma_start3A_175 = tpu.memref_squeeze %dma_start3A_174 : memref<1x512xf32, #tpu.memory_space<vmem_shared>> -> memref<512xf32, #tpu.memory_space<vmem_shared>>
      %dma_start3A_176 = tpu.memref_slice %arg10[%run_scoped3A, %mul3A_166] : memref<16x8192xf32, #tpu.memory_space<vmem_shared>> -> memref<1x512xf32, #tpu.memory_space<vmem_shared>>
      %dma_start3A_177 = tpu.memref_squeeze %dma_start3A_176 : memref<1x512xf32, #tpu.memory_space<vmem_shared>> -> memref<512xf32, #tpu.memory_space<vmem_shared>>
      tpu.enqueue_dma source(%dma_start3A_177 : memref<512xf32, #tpu.memory_space<vmem_shared>>) target(%arg12 : memref<512xf32, #tpu.memory_space<vmem>>) target_semaphore(%run_scoped3A_173 : memref<!tpu.dma_semaphore, #tpu.memory_space<semaphore_mem>>)
      %dma_wait3A_178 = tpu.memref_slice %arg10[%run_scoped3A, %mul3A_166] : memref<16x8192xf32, #tpu.memory_space<vmem_shared>> -> memref<1x512xf32, #tpu.memory_space<vmem_shared>>
      %dma_wait3A_179 = tpu.memref_squeeze %dma_wait3A_178 : memref<1x512xf32, #tpu.memory_space<vmem_shared>> -> memref<512xf32, #tpu.memory_space<vmem_shared>>
      %dma_wait3A_180 = tpu.memref_slice %arg10[%run_scoped3A, %mul3A_166] : memref<16x8192xf32, #tpu.memory_space<vmem_shared>> -> memref<1x512xf32, #tpu.memory_space<vmem_shared>>
      %dma_wait3A_181 = tpu.memref_squeeze %dma_wait3A_180 : memref<1x512xf32, #tpu.memory_space<vmem_shared>> -> memref<512xf32, #tpu.memory_space<vmem_shared>>
      tpu.wait_dma2 semaphore(%run_scoped3A_173 : memref<!tpu.dma_semaphore, #tpu.memory_space<semaphore_mem>>) src(%dma_wait3A_181 : memref<512xf32, #tpu.memory_space<vmem_shared>>) dst(%arg12 : memref<512xf32, #tpu.memory_space<vmem>>)
      tpu.yield
    }) : () -> ()
    %scan3A_167 = arith.constant 0 : i32
    %scan3A_168 = arith.constant 1 : i32
    %scan3A_169 = arith.constant 15 : i32
    %scan3A_170 = arith.addi %scan3A_168, %scan3A_169 : i32
    %scan3A_171 = arith.constant 1 : i32
    scf.for %scan3A_173 = %scan3A_168 to %scan3A_170 step %scan3A_171  : i32 {
      "tpu.region"() ({
        %run_scoped3A_180 = tpu.sem_alloc : memref<!tpu.dma_semaphore, #tpu.memory_space<semaphore_mem>>
        %dma_start3A_181 = tpu.memref_slice %arg10[%scan3A_173, %mul3A_166] : memref<16x8192xf32, #tpu.memory_space<vmem_shared>> -> memref<1x512xf32, #tpu.memory_space<vmem_shared>>
        %dma_start3A_182 = tpu.memref_squeeze %dma_start3A_181 : memref<1x512xf32, #tpu.memory_space<vmem_shared>> -> memref<512xf32, #tpu.memory_space<vmem_shared>>
        %dma_start3A_183 = tpu.memref_slice %arg10[%scan3A_173, %mul3A_166] : memref<16x8192xf32, #tpu.memory_space<vmem_shared>> -> memref<1x512xf32, #tpu.memory_space<vmem_shared>>
        %dma_start3A_184 = tpu.memref_squeeze %dma_start3A_183 : memref<1x512xf32, #tpu.memory_space<vmem_shared>> -> memref<512xf32, #tpu.memory_space<vmem_shared>>
        tpu.enqueue_dma source(%dma_start3A_184 : memref<512xf32, #tpu.memory_space<vmem_shared>>) target(%arg11 : memref<512xf32, #tpu.memory_space<vmem>>) target_semaphore(%run_scoped3A_180 : memref<!tpu.dma_semaphore, #tpu.memory_space<semaphore_mem>>)
        %dma_wait3A_185 = tpu.memref_slice %arg10[%scan3A_173, %mul3A_166] : memref<16x8192xf32, #tpu.memory_space<vmem_shared>> -> memref<1x512xf32, #tpu.memory_space<vmem_shared>>
        %dma_wait3A_186 = tpu.memref_squeeze %dma_wait3A_185 : memref<1x512xf32, #tpu.memory_space<vmem_shared>> -> memref<512xf32, #tpu.memory_space<vmem_shared>>
        %dma_wait3A_187 = tpu.memref_slice %arg10[%scan3A_173, %mul3A_166] : memref<16x8192xf32, #tpu.memory_space<vmem_shared>> -> memref<1x512xf32, #tpu.memory_space<vmem_shared>>
        %dma_wait3A_188 = tpu.memref_squeeze %dma_wait3A_187 : memref<1x512xf32, #tpu.memory_space<vmem_shared>> -> memref<512xf32, #tpu.memory_space<vmem_shared>>
        tpu.wait_dma2 semaphore(%run_scoped3A_180 : memref<!tpu.dma_semaphore, #tpu.memory_space<semaphore_mem>>) src(%dma_wait3A_188 : memref<512xf32, #tpu.memory_space<vmem_shared>>) dst(%arg11 : memref<512xf32, #tpu.memory_space<vmem>>)
        tpu.yield
      }) : () -> ()
      %scan3A_174 = arith.constant 0 : i32
      %scan3A_175 = arith.constant 0 : i32
      %scan3A_176 = arith.constant 32 : i32
      %scan3A_177 = arith.addi %scan3A_175, %scan3A_176 : i32
      %scan3A_178 = arith.constant 1 : i32
      scf.for %scan3A_180 = %scan3A_175 to %scan3A_177 step %scan3A_178  : i32 {
        %mul3A_181 = arith.constant 16 : i32
        %mul3A_182 = arith.muli %scan3A_180, %mul3A_181 : i32
        %get3A_183 = arith.index_cast %mul3A_182 : i32 to index
        %get3A_184 = tpu.vector_load %arg12[%get3A_183] {strides = array<i32>} : memref<512xf32, #tpu.memory_space<vmem>>, vector<16xf32>,
        %mul3A_185 = arith.constant 16 : i32
        %mul3A_186 = arith.muli %scan3A_180, %mul3A_185 : i32
        %get3A_187 = arith.index_cast %mul3A_186 : i32 to index
        %get3A_188 = tpu.vector_load %arg11[%get3A_187] {strides = array<i32>} : memref<512xf32, #tpu.memory_space<vmem>>, vector<16xf32>,
        %add3A_189 = arith.addf %get3A_184, %get3A_188 : vector<16xf32>
        %mul3A_190 = arith.constant 16 : i32
        %mul3A_191 = arith.muli %scan3A_180, %mul3A_190 : i32
        %swap3A = arith.index_cast %mul3A_191 : i32 to index
        %swap3A_192 = tpu.vector_load %arg12[%swap3A] {strides = array<i32>} : memref<512xf32, #tpu.memory_space<vmem>>, vector<16xf32>,
        tpu.vector_store %arg12[%swap3A], %add3A_189 {strides = array<i32>} : memref<512xf32, #tpu.memory_space<vmem>>, vector<16xf32>,
      }
      %scan3A_179 = arith.constant 32 : i32
    }
    %scan3A_172 = arith.constant 15 : i32
    "tpu.region"() ({
      %run_scoped3A_173 = tpu.sem_alloc : memref<!tpu.dma_semaphore, #tpu.memory_space<semaphore_mem>>
      %dma_start3A_174 = tpu.memref_slice %arg5[%arg0, %mul3A_166] : memref<2x8192xf32, #tpu.memory_space<hbm>> -> memref<1x512xf32, #tpu.memory_space<hbm>>
      %dma_start3A_175 = tpu.memref_squeeze %dma_start3A_174 : memref<1x512xf32, #tpu.memory_space<hbm>> -> memref<512xf32, #tpu.memory_space<hbm>>
      %dma_start3A_176 = tpu.memref_slice %arg5[%arg0, %mul3A_166] : memref<2x8192xf32, #tpu.memory_space<hbm>> -> memref<1x512xf32, #tpu.memory_space<hbm>>
      %dma_start3A_177 = tpu.memref_squeeze %dma_start3A_176 : memref<1x512xf32, #tpu.memory_space<hbm>> -> memref<512xf32, #tpu.memory_space<hbm>>
      tpu.enqueue_dma source(%arg12 : memref<512xf32, #tpu.memory_space<vmem>>) target(%dma_start3A_177 : memref<512xf32, #tpu.memory_space<hbm>>) target_semaphore(%run_scoped3A_173 : memref<!tpu.dma_semaphore, #tpu.memory_space<semaphore_mem>>)
      %dma_wait3A_178 = tpu.memref_slice %arg5[%arg0, %mul3A_166] : memref<2x8192xf32, #tpu.memory_space<hbm>> -> memref<1x512xf32, #tpu.memory_space<hbm>>
      %dma_wait3A_179 = tpu.memref_squeeze %dma_wait3A_178 : memref<1x512xf32, #tpu.memory_space<hbm>> -> memref<512xf32, #tpu.memory_space<hbm>>
      %dma_wait3A_180 = tpu.memref_slice %arg5[%arg0, %mul3A_166] : memref<2x8192xf32, #tpu.memory_space<hbm>> -> memref<1x512xf32, #tpu.memory_space<hbm>>
      %dma_wait3A_181 = tpu.memref_squeeze %dma_wait3A_180 : memref<1x512xf32, #tpu.memory_space<hbm>> -> memref<512xf32, #tpu.memory_space<hbm>>
      tpu.wait_dma2 semaphore(%run_scoped3A_173 : memref<!tpu.dma_semaphore, #tpu.memory_space<semaphore_mem>>) src(%arg12 : memref<512xf32, #tpu.memory_space<vmem>>) dst(%dma_wait3A_181 : memref<512xf32, #tpu.memory_space<hbm>>)
      tpu.yield
    }) : () -> ()
    return
  }
}

module attributes {stable_mosaic.version = 14 : i64} {
  func.func @_main_body(%arg0: i32, %arg1: memref<256x64xf32, #tpu.memory_space<vmem>>, %arg2: memref<1x8192xf32, #tpu.memory_space<vmem>>, %arg3: memref<8192x64xf32, #tpu.memory_space<vmem>>, %arg4: memref<1x8192xf32, #tpu.memory_space<vmem>>, %arg5: memref<256x1xi32, #tpu.memory_space<vmem>>, %arg6: memref<256x8192xf32, #tpu.memory_space<vmem>>) attributes {dimension_semantics = [#tpu.dimension_semantics<arbitrary>], iteration_bounds = array<i64: 64>, scalar_prefetch = 0 : i64, scratch_operands = 0 : i64, tpu.core_type = #tpu.core_type<tc>, window_params = [{transform_indices = @transform_0, window_bounds = array<i64: 256, 64>}, {pipeline_mode = #tpu.pipeline_mode<synchronous>, transform_indices = @transform_1, window_bounds = array<i64: 1, 8192>}, {pipeline_mode = #tpu.pipeline_mode<synchronous>, transform_indices = @transform_2, window_bounds = array<i64: 8192, 64>}, {pipeline_mode = #tpu.pipeline_mode<synchronous>, transform_indices = @transform_3, window_bounds = array<i64: 1, 8192>}, {transform_indices = @transform_4, window_bounds = array<i64: 256, 1>}, {transform_indices = @transform_5, window_bounds = array<i64: 256, 8192>}]} {
    %get3A = arith.constant 0 : index
    %get3A_0 = arith.constant 0 : index
    %get3A_1 = vector.load %arg1[%get3A, %get3A_0] : memref<256x64xf32, #tpu.memory_space<vmem>>, vector<256x64xf32>
    %get3A_2 = arith.constant 0 : index
    %get3A_3 = arith.constant 0 : index
    %get3A_4 = vector.load %arg3[%get3A_2, %get3A_3] : memref<8192x64xf32, #tpu.memory_space<vmem>>, vector<8192x64xf32>
    %dot_general3A = arith.constant dense<0.000000e+00> : vector<256x8192xf32>
    %dot_general3A_5 = tpu.matmul %get3A_1, %get3A_4, %dot_general3A {dimension_numbers = #tpu.dot_dimension_numbers<[1], [1], [0], [0], [0, 0, 1, 0], [], []>, transpose_lhs_hint = false} : vector<256x64xf32>, vector<8192x64xf32>, vector<256x8192xf32> -> vector<256x8192xf32>
    %mul3A = arith.mulf %get3A_1, %get3A_1 : vector<256x64xf32>
    %reduce_sum3A = arith.constant dense<0.000000e+00> : vector<256xf32>
    %reduce_sum3A_6 = vector.multi_reduction <add>, %mul3A, %reduce_sum3A [1] : vector<256x64xf32> to vector<256xf32>
    %broadcast_in_dim3A = vector.shape_cast %reduce_sum3A_6 : vector<256xf32> to vector<256x1xf32>
    %get3A_7 = arith.constant 0 : index
    %get3A_8 = arith.constant 0 : index
    %get3A_9 = vector.load %arg2[%get3A_7, %get3A_8] : memref<1x8192xf32, #tpu.memory_space<vmem>>, vector<1x8192xf32>
    %add3A = vector.broadcast %broadcast_in_dim3A : vector<256x1xf32> to vector<256x8192xf32>
    %add3A_10 = vector.broadcast %get3A_9 : vector<1x8192xf32> to vector<256x8192xf32>
    %add3A_11 = arith.addf %add3A, %add3A_10 : vector<256x8192xf32>
    %mul3A_12 = arith.constant 2.000000e+00 : f32
    %mul3A_13 = vector.broadcast %mul3A_12 : f32 to vector<256x8192xf32>
    %mul3A_14 = arith.mulf %mul3A_13, %dot_general3A_5 : vector<256x8192xf32>
    %sub3A = arith.subf %add3A_11, %mul3A_14 : vector<256x8192xf32>
    %reduce_min3A = arith.constant dense<0x7F800000> : vector<256xf32>
    %reduce_min3A_15 = vector.multi_reduction <minimumf>, %sub3A, %reduce_min3A [1] : vector<256x8192xf32> to vector<256xf32>
    %broadcast_in_dim3A_16 = vector.shape_cast %reduce_min3A_15 : vector<256xf32> to vector<256x1xf32>
    %get3A_17 = arith.constant 0 : index
    %get3A_18 = arith.constant 0 : index
    %get3A_19 = vector.load %arg4[%get3A_17, %get3A_18] : memref<1x8192xf32, #tpu.memory_space<vmem>>, vector<1x8192xf32>
    %eq3A = vector.broadcast %broadcast_in_dim3A_16 : vector<256x1xf32> to vector<256x8192xf32>
    %eq3A_20 = arith.cmpf oeq, %sub3A, %eq3A : vector<256x8192xf32>
    %jit3A = arith.constant 8.192000e+03 : f32
    %broadcast_in_dim3A_21 = vector.shape_cast %get3A_19 : vector<1x8192xf32> to vector<1x8192xf32>
    %broadcast_in_dim3A_22 = vector.broadcast %broadcast_in_dim3A_21 : vector<1x8192xf32> to vector<256x8192xf32>
    %broadcast_in_dim3A_23 = vector.broadcast %jit3A : f32 to vector<256x8192xf32>
    %select_n3A = arith.select %eq3A_20, %broadcast_in_dim3A_22, %broadcast_in_dim3A_23 : vector<256x8192xi1>, vector<256x8192xf32>
    %reduce_min3A_24 = arith.constant dense<0x7F800000> : vector<256xf32>
    %reduce_min3A_25 = vector.multi_reduction <minimumf>, %select_n3A, %reduce_min3A_24 [1] : vector<256x8192xf32> to vector<256xf32>
    %broadcast_in_dim3A_26 = vector.shape_cast %reduce_min3A_25 : vector<256xf32> to vector<256x1xf32>
    %eq3A_27 = vector.broadcast %get3A_19 : vector<1x8192xf32> to vector<256x8192xf32>
    %eq3A_28 = vector.broadcast %broadcast_in_dim3A_26 : vector<256x1xf32> to vector<256x8192xf32>
    %eq3A_29 = arith.cmpf oeq, %eq3A_27, %eq3A_28 : vector<256x8192xf32>
    %jit3A_30 = arith.constant 1.000000e+00 : f32
    %jit3A_31 = arith.constant 0.000000e+00 : f32
    %broadcast_in_dim3A_32 = vector.broadcast %jit3A_30 : f32 to vector<256x8192xf32>
    %broadcast_in_dim3A_33 = vector.broadcast %jit3A_31 : f32 to vector<256x8192xf32>
    %select_n3A_34 = arith.select %eq3A_29, %broadcast_in_dim3A_32, %broadcast_in_dim3A_33 : vector<256x8192xi1>, vector<256x8192xf32>
    %swap3A = arith.constant 0 : index
    %swap3A_35 = arith.constant 0 : index
    %swap3A_36 = vector.load %arg6[%swap3A, %swap3A_35] : memref<256x8192xf32, #tpu.memory_space<vmem>>, vector<256x8192xf32>
    tpu.vector_store %arg6[%swap3A, %swap3A_35], %select_n3A_34 {strides = array<i32>} : memref<256x8192xf32, #tpu.memory_space<vmem>>, vector<256x8192xf32>,
    %convert_element_type3A = arith.fptosi %broadcast_in_dim3A_26 : vector<256x1xf32> to vector<256x1xi32>
    %swap3A_37 = arith.constant 0 : index
    %swap3A_38 = arith.constant 0 : index
    %swap3A_39 = vector.load %arg5[%swap3A_37, %swap3A_38] : memref<256x1xi32, #tpu.memory_space<vmem>>, vector<256x1xi32>
    tpu.vector_store %arg5[%swap3A_37, %swap3A_38], %convert_element_type3A {strides = array<i32>} : memref<256x1xi32, #tpu.memory_space<vmem>>, vector<256x1xi32>,
    return
  }
  func.func @transform_0(%arg0: i32) -> (i32, i32) {
    %c0_i32 = arith.constant 0 : i32
    %c0_i32_0 = arith.constant 0 : i32
    return %arg0, %c0_i32 : i32, i32
  }
  func.func @transform_1(%arg0: i32) -> (i32, i32) {
    %c0_i32 = arith.constant 0 : i32
    %c0_i32_0 = arith.constant 0 : i32
    %c0_i32_1 = arith.constant 0 : i32
    return %c0_i32, %c0_i32_0 : i32, i32
  }
  func.func @transform_2(%arg0: i32) -> (i32, i32) {
    %c0_i32 = arith.constant 0 : i32
    %c0_i32_0 = arith.constant 0 : i32
    %c0_i32_1 = arith.constant 0 : i32
    return %c0_i32, %c0_i32_0 : i32, i32
  }
  func.func @transform_3(%arg0: i32) -> (i32, i32) {
    %c0_i32 = arith.constant 0 : i32
    %c0_i32_0 = arith.constant 0 : i32
    %c0_i32_1 = arith.constant 0 : i32
    return %c0_i32, %c0_i32_0 : i32, i32
  }
  func.func @transform_4(%arg0: i32) -> (i32, i32) {
    %c0_i32 = arith.constant 0 : i32
    %c0_i32_0 = arith.constant 0 : i32
    return %arg0, %c0_i32 : i32, i32
  }
  func.func @transform_5(%arg0: i32) -> (i32, i32) {
    %c0_i32 = arith.constant 0 : i32
    %c0_i32_0 = arith.constant 0 : i32
    return %arg0, %c0_i32 : i32, i32
  }
}

module attributes {stable_mosaic.version = 14 : i64} {
  func.func @_fin_body(%arg0: i32, %arg1: memref<2048x64xf32, #tpu.memory_space<vmem>>, %arg2: memref<2048x64xf32, #tpu.memory_space<vmem>>, %arg3: memref<2x8192xf32, #tpu.memory_space<vmem>>, %arg4: memref<2048x64xf32, #tpu.memory_space<vmem>>, %arg5: memref<1x1xf32, #tpu.memory_space<vmem>>, %arg6: memref<1x1xf32, #tpu.memory_space<vmem>>, %arg7: memref<1x1xf32, #tpu.memory_space<vmem>>) attributes {dimension_semantics = [#tpu.dimension_semantics<arbitrary>], iteration_bounds = array<i64: 8>, scalar_prefetch = 0 : i64, scratch_operands = 1 : i64, tpu.core_type = #tpu.core_type<tc>, window_params = [{transform_indices = @transform_0, window_bounds = array<i64: 2048, 64>}, {transform_indices = @transform_1, window_bounds = array<i64: 2048, 64>}, {pipeline_mode = #tpu.pipeline_mode<synchronous>, transform_indices = @transform_2, window_bounds = array<i64: 2, 8192>}, {transform_indices = @transform_3, window_bounds = array<i64: 2048, 64>}, {pipeline_mode = #tpu.pipeline_mode<synchronous>, transform_indices = @transform_4, window_bounds = array<i64: 1, 1>}, {pipeline_mode = #tpu.pipeline_mode<synchronous>, transform_indices = @transform_5, window_bounds = array<i64: 1, 1>}]} {
    %get3A = arith.constant 0 : index
    %get3A_0 = arith.constant 0 : index
    %get3A_1 = vector.load %arg1[%get3A, %get3A_0] : memref<2048x64xf32, #tpu.memory_space<vmem>>, vector<2048x64xf32>
    %get3A_2 = arith.constant 0 : index
    %get3A_3 = arith.constant 0 : index
    %get3A_4 = vector.load %arg2[%get3A_2, %get3A_3] : memref<2048x64xf32, #tpu.memory_space<vmem>>, vector<2048x64xf32>
    %sub3A = arith.subf %get3A_4, %get3A_1 : vector<2048x64xf32>
    %add3A = arith.addf %get3A_1, %sub3A : vector<2048x64xf32>
    %swap3A = arith.constant 0 : index
    %swap3A_5 = arith.constant 0 : index
    %swap3A_6 = vector.load %arg4[%swap3A, %swap3A_5] : memref<2048x64xf32, #tpu.memory_space<vmem>>, vector<2048x64xf32>
    tpu.vector_store %arg4[%swap3A, %swap3A_5], %add3A {strides = array<i32>} : memref<2048x64xf32, #tpu.memory_space<vmem>>, vector<2048x64xf32>,
    %sub3A_7 = arith.subf %get3A_4, %get3A_1 : vector<2048x64xf32>
    %mul3A = arith.mulf %sub3A_7, %sub3A_7 : vector<2048x64xf32>
    %reduce_sum3A = arith.constant dense<0.000000e+00> : vector<2048xf32>
    %reduce_sum3A_8 = vector.multi_reduction <add>, %mul3A, %reduce_sum3A [1] : vector<2048x64xf32> to vector<2048xf32>
    %broadcast_in_dim3A = vector.shape_cast %reduce_sum3A_8 : vector<2048xf32> to vector<2048x1xf32>
    %reduce_sum3A_9 = arith.constant dense<0.000000e+00> : vector<1xf32>
    %reduce_sum3A_10 = vector.multi_reduction <add>, %broadcast_in_dim3A, %reduce_sum3A_9 [0] : vector<2048x1xf32> to vector<1xf32>
    %broadcast_in_dim3A_11 = vector.shape_cast %reduce_sum3A_10 : vector<1xf32> to vector<1x1xf32>
    %eq3A = arith.constant 0 : i32
    %eq3A_12 = arith.cmpi eq, %arg0, %eq3A : i32
    %convert_element_type3A = arith.extui %eq3A_12 : i1 to i32
    %cond3A = arith.constant 0 : i32
    %cond3A_13 = arith.cmpi ne, %convert_element_type3A, %cond3A : i32
    scf.if %cond3A_13 {
      %swap3A_23 = arith.constant 0 : index
      %swap3A_24 = arith.constant 0 : index
      %swap3A_25 = vector.load %arg7[%swap3A_23, %swap3A_24] : memref<1x1xf32, #tpu.memory_space<vmem>>, vector<1x1xf32>
      tpu.vector_store %arg7[%swap3A_23, %swap3A_24], %broadcast_in_dim3A_11 {strides = array<i32>} : memref<1x1xf32, #tpu.memory_space<vmem>>, vector<1x1xf32>,
    } else {
    }
    %gt3A = arith.constant 0 : i32
    %gt3A_14 = arith.cmpi sgt, %arg0, %gt3A : i32
    %convert_element_type3A_15 = arith.extui %gt3A_14 : i1 to i32
    %cond3A_16 = arith.constant 0 : i32
    %cond3A_17 = arith.cmpi ne, %convert_element_type3A_15, %cond3A_16 : i32
    scf.if %cond3A_17 {
      %get3A_23 = arith.constant 0 : index
      %get3A_24 = arith.constant 0 : index
      %get3A_25 = vector.load %arg7[%get3A_23, %get3A_24] : memref<1x1xf32, #tpu.memory_space<vmem>>, vector<1x1xf32>
      %add3A_26 = arith.addf %get3A_25, %broadcast_in_dim3A_11 : vector<1x1xf32>
      %swap3A_27 = arith.constant 0 : index
      %swap3A_28 = arith.constant 0 : index
      %swap3A_29 = vector.load %arg7[%swap3A_27, %swap3A_28] : memref<1x1xf32, #tpu.memory_space<vmem>>, vector<1x1xf32>
      tpu.vector_store %arg7[%swap3A_27, %swap3A_28], %add3A_26 {strides = array<i32>} : memref<1x1xf32, #tpu.memory_space<vmem>>, vector<1x1xf32>,
    } else {
    }
    %eq3A_18 = arith.constant 7 : i32
    %eq3A_19 = arith.cmpi eq, %arg0, %eq3A_18 : i32
    %convert_element_type3A_20 = arith.extui %eq3A_19 : i1 to i32
    %cond3A_21 = arith.constant 0 : i32
    %cond3A_22 = arith.cmpi ne, %convert_element_type3A_20, %cond3A_21 : i32
    scf.if %cond3A_22 {
      %get3A_23 = arith.constant 0 : index
      %get3A_24 = arith.constant 0 : index
      %get3A_25 = vector.load %arg7[%get3A_23, %get3A_24] : memref<1x1xf32, #tpu.memory_space<vmem>>, vector<1x1xf32>
      %mul3A_26 = arith.constant 9.53674316E-7 : f32
      %mul3A_27 = vector.broadcast %mul3A_26 : f32 to vector<1x1xf32>
      %mul3A_28 = arith.mulf %get3A_25, %mul3A_27 : vector<1x1xf32>
      %get3A_29 = arith.constant 0 : index
      %get3A_30 = arith.constant 0 : index
      %get3A_31 = vector.load %arg3[%get3A_29, %get3A_30] : memref<2x8192xf32, #tpu.memory_space<vmem>>, vector<1x8192xf32>
      %get3A_32 = arith.constant 1 : index
      %get3A_33 = arith.constant 0 : index
      %get3A_34 = vector.load %arg3[%get3A_32, %get3A_33] : memref<2x8192xf32, #tpu.memory_space<vmem>>, vector<1x8192xf32>
      %add3A_35 = arith.addf %get3A_31, %get3A_34 : vector<1x8192xf32>
      %mul3A_36 = arith.constant 2.500000e-01 : f32
      %mul3A_37 = vector.broadcast %mul3A_36 : f32 to vector<1x1xf32>
      %mul3A_38 = arith.mulf %mul3A_37, %mul3A_28 : vector<1x1xf32>
      %add3A_39 = arith.addf %mul3A_28, %mul3A_38 : vector<1x1xf32>
      %swap3A_40 = arith.constant 0 : index
      %swap3A_41 = arith.constant 0 : index
      %swap3A_42 = vector.load %arg5[%swap3A_40, %swap3A_41] : memref<1x1xf32, #tpu.memory_space<vmem>>, vector<1x1xf32>
      tpu.vector_store %arg5[%swap3A_40, %swap3A_41], %add3A_39 {strides = array<i32>} : memref<1x1xf32, #tpu.memory_space<vmem>>, vector<1x1xf32>,
      %mul3A_43 = arith.constant 6.10351563E-5 : f32
      %mul3A_44 = vector.broadcast %mul3A_43 : f32 to vector<1x8192xf32>
      %mul3A_45 = arith.mulf %add3A_35, %mul3A_44 : vector<1x8192xf32>
      %add3A_46 = arith.constant 1.1920929E-7 : f32
      %add3A_47 = vector.broadcast %add3A_46 : f32 to vector<1x8192xf32>
      %add3A_48 = arith.addf %mul3A_45, %add3A_47 : vector<1x8192xf32>
      %log3A = math.log %add3A_48 : vector<1x8192xf32>
      %mul3A_49 = arith.mulf %mul3A_45, %log3A : vector<1x8192xf32>
      %reduce_sum3A_50 = arith.constant dense<0.000000e+00> : vector<1xf32>
      %reduce_sum3A_51 = vector.multi_reduction <add>, %mul3A_49, %reduce_sum3A_50 [1] : vector<1x8192xf32> to vector<1xf32>
      %broadcast_in_dim3A_52 = vector.shape_cast %reduce_sum3A_51 : vector<1xf32> to vector<1x1xf32>
      %neg3A = arith.constant 0.000000e+00 : f32
      %neg3A_53 = vector.broadcast %neg3A : f32 to vector<1x1xf32>
      %neg3A_54 = arith.subf %neg3A_53, %broadcast_in_dim3A_52 : vector<1x1xf32>
      %exp3A = math.exp %neg3A_54 : vector<1x1xf32>
      %swap3A_55 = arith.constant 0 : index
      %swap3A_56 = arith.constant 0 : index
      %swap3A_57 = vector.load %arg6[%swap3A_55, %swap3A_56] : memref<1x1xf32, #tpu.memory_space<vmem>>, vector<1x1xf32>
      tpu.vector_store %arg6[%swap3A_55, %swap3A_56], %exp3A {strides = array<i32>} : memref<1x1xf32, #tpu.memory_space<vmem>>, vector<1x1xf32>,
    } else {
    }
    return
  }
  func.func @transform_0(%arg0: i32) -> (i32, i32) {
    %c0_i32 = arith.constant 0 : i32
    %c0_i32_0 = arith.constant 0 : i32
    return %arg0, %c0_i32 : i32, i32
  }
  func.func @transform_1(%arg0: i32) -> (i32, i32) {
    %c0_i32 = arith.constant 0 : i32
    %c0_i32_0 = arith.constant 0 : i32
    return %arg0, %c0_i32 : i32, i32
  }
  func.func @transform_2(%arg0: i32) -> (i32, i32) {
    %c0_i32 = arith.constant 0 : i32
    %c0_i32_0 = arith.constant 0 : i32
    %c0_i32_1 = arith.constant 0 : i32
    return %c0_i32, %c0_i32_0 : i32, i32
  }
  func.func @transform_3(%arg0: i32) -> (i32, i32) {
    %c0_i32 = arith.constant 0 : i32
    %c0_i32_0 = arith.constant 0 : i32
    return %arg0, %c0_i32 : i32, i32
  }
  func.func @transform_4(%arg0: i32) -> (i32, i32) {
    %c0_i32 = arith.constant 0 : i32
    %c0_i32_0 = arith.constant 0 : i32
    %c0_i32_1 = arith.constant 0 : i32
    return %c0_i32, %c0_i32_0 : i32, i32
  }
  func.func @transform_5(%arg0: i32) -> (i32, i32) {
    %c0_i32 = arith.constant 0 : i32
    %c0_i32_0 = arith.constant 0 : i32
    %c0_i32_1 = arith.constant 0 : i32
    return %c0_i32, %c0_i32_0 : i32, i32
  }
}

</mosaic_0001>

<sc_bundles>
// kernel: kernel.5.cloned.1.call-start
scs
__scs_entry_jumppad:
0x0: {  	(pc) =	sbr.rel $0x88, $3  }
0x1: {  	(tag) =	ssettag $0x0;
	lr =	simm.s32 $0x1  }
0x2: {  	[smem:$0x3F9F] =	sst lr;
	_ =	strace $0xD0000000  }
0x3: {  	_ = 	snop  }
0x4: {  	_ = 	snop  }
0x5: {  	_ = 	snop  }
0x6: {  	_ = 	snop  }
0x7: {  	_ = 	snop  }
__scs_overlays_trampoline_lowered:
0x8: {  	[smem:$0x3FAE] =	sst s0  }
0x9: {  	[smem:$0x3FAF] =	sst s1  }
0xa: {  	[smem:$0x3FB0] =	sst s2  }
0xb: {  	[smem:$0x3FB1] =	sst s3  }
0xc: {  	[smem:$0x3FB2] =	sst s4  }
0xd: {  	[smem:$0x3FB3] =	sst s5  }
0xe: {  	[smem:$0x3FB4] =	sst s6  }
0xf: {  	[smem:$0x3FB5] =	sst s7  }
0x10: {  	[smem:$0x3FB6] =	sst s8  }
0x11: {  	[smem:$0x3FB7] =	sst s9;
	s0 =	simm.s32 @!p0 $0x0  }
0x12: {  	s1 =	sld [smem:$0x3F9D];
	s0 =	simm.s32 @p0 $0x1  }
0x13: {  	[smem:$0x3FB8] =	sst s0;
	s0 =	simm.s32 @!p1 $0x0  }
0x14: {  	s2 =	sld [smem:$0x3F9C];
	s0 =	simm.s32 @p1 $0x1  }
0x15: {  	[smem:$0x3FB9] =	sst s0;
	s0 =	simm.s32 @!p2 $0x0  }
0x16: {  	s3 =	sld [smem:$0x3FDB];
	s0 =	simm.s32 @p2 $0x1  }
0x17: {  	s4 =	simm.s32 $0x1BF5;
	[smem:$0x3FBB] =	sst s0  }
0x18: {  	s0 =	sld [smem:$0x3F9E];
	_ =	swait.ge [sflag:s4], $0x0  }
0x19: {  	s7 =	sld [smem:$0x3F9F]  }
0x1a: {  	s8 =	sadd.s32 $0xFFFFE003, lr  }
0x1b: {  	s9 =	sadd.s32 $0xFFFFFEF7, lr;
	s5 =	simm.s32 $0xFFFFFFFF;
	p2 =	slt.u32 s8, $0xFFFFF086  }
0x1c: {  	p1 =	slt.u32 s9, $0xF7A;
	s5 =	simm.s32 @!p2 $0x0  }
0x1d: {  	s5 =	simm.s32 @p1 $0x1;
	p0 =	seq.s32 s7, s2  }
0x1e: {  	s7 =	smul.u32 @!p0 $0xF7A, s2;
	p2 =	seq.s32 @!p0 s5, $0x0  }
0x1f: {  	s9 =	smul.u32 $0xF7A, s1;
	s8 =	simm.s32 @!p0 $0x1BF5;
	p2 =	por !p2, p0  }
0x20: {  	[sflag:s8] =	ssyncset.s32 @!p0 $0xFFFFF086;
	s6 =	sadd.s32 @!p0 s3, s7;
	s7 =	simm.s32 @!p0 $0x108  }
0x21: {  	s3 =	sadd.s32 s3, s9;
	s6 =	sadd.s32 @!p0 $0x88, s6;
	s7 =	simm.s32 @p2 $0x1082  }
0x22: {  	[simem:s7], [sflag:s8] =	dma.local @!p0 [hbm:s6], $0xF7A  }
0x23: {  	s9 =	sor.u32 $0xD0000000, s2;
	s6 =	simm.s32 $0x108;
	_ =	swait.ge @!p0 [sflag:s8], $0x0  }
0x24: {  	s3 =	sadd.s32 $0x88, s3;
	s6 =	simm.s32 @!p1 $0x1082;
	[sflag:s4] =	ssyncset.s32 $0xFFFFF086  }
0x25: {  	[simem:s6], [sflag:s4] =	dma.local [hbm:s3], $0xF7A  }
0x26: {  	[smem:$0x3F9F] =	sst s1;
	(tag) =	ssettag s2;
	_ =	strace s9  }
0x27: {  	s1 =	sld [smem:$0x3FAF]  }
0x28: {  	s2 =	sld [smem:$0x3FB0]  }
0x29: {  	s4 =	sld [smem:$0x3FB2]  }
0x2a: {  	p0 =	seq.s32 s5, $0x0;
	s5 =	sld [smem:$0x3FB3]  }
0x2b: {  	s6 =	sld [smem:$0x3FB4]  }
0x2c: {  	s7 =	sld [smem:$0x3FB5]  }
0x2d: {  	s3 =	simm.s32 $0x108;
	s8 =	sld [smem:$0x3FB6]  }
0x2e: {  	s3 =	simm.s32 @!p0 $0x1082;
	s9 =	sld [smem:$0x3FB7]  }
0x2f: {  	lr =	sadd.s32 s0, s3;
	s0 =	sld [smem:$0x3FAE]  }
0x30: {  	s3 =	sld [smem:$0x3FB1]  }
0x31: {  	[smem:$0x3FBA] =	sst s10  }
0x32: {  	s10 =	sld [smem:$0x3FB8];
	_ =	sdelay $0x3  }
0x33: {  	p0 =	seq.s32 s10, $0x1;
	s10 =	sld [smem:$0x3FBA];
	_ =	sdelay $0x3  }
0x34: {  	[smem:$0x3FBA] =	sst s10  }
0x35: {  	s10 =	sld [smem:$0x3FB9];
	_ =	sdelay $0x3  }
0x36: {  	p1 =	seq.s32 s10, $0x1;
	s10 =	sld [smem:$0x3FBA];
	_ =	sdelay $0x3  }
0x37: {  	[smem:$0x3FBA] =	sst s10  }
0x38: {  	s10 =	sld [smem:$0x3FBB]  }
0x39: {  	_ = 	snop;
	(pc) =	sbr.ind lr, $3  }
0x3a: {  	_ = 	snop  }
0x3b: {  	_ = 	snop  }
0x3c: {  	p2 =	seq.s32 s10, $0x1;
	s10 =	sld [smem:$0x3FBA]  }
0x3d: {  	_ =	shalt  }
0x3e: {  	_ =	shalt  }
0x3f: {  	_ =	shalt  }
0x40: {  	_ =	shalt  }
0x41: {  	_ =	shalt  }
0x42: {  	_ =	shalt  }
0x43: {  	_ =	shalt  }
0x44: {  	_ =	shalt  }
0x45: {  	_ =	shalt  }
0x46: {  	_ =	shalt  }
0x47: {  	_ =	shalt  }
0x48: {  	_ =	shalt  }
0x49: {  	_ =	shalt  }
0x4a: {  	_ =	shalt  }
0x4b: {  	_ =	shalt  }
0x4c: {  	_ =	shalt  }
0x4d: {  	_ =	shalt  }
0x4e: {  	_ =	shalt  }
0x4f: {  	_ =	shalt  }
0x50: {  	_ =	shalt  }
0x51: {  	_ =	shalt  }
0x52: {  	_ =	shalt  }
0x53: {  	_ =	shalt  }
0x54: {  	_ =	shalt  }
0x55: {  	_ =	shalt  }
0x56: {  	_ =	shalt  }
0x57: {  	_ =	shalt  }
0x58: {  	_ =	shalt  }
0x59: {  	_ =	shalt  }
0x5a: {  	_ =	shalt  }
0x5b: {  	_ =	shalt  }
0x5c: {  	_ =	shalt  }
0x5d: {  	_ =	shalt  }
0x5e: {  	_ =	shalt  }
0x5f: {  	_ =	shalt  }
0x60: {  	_ =	shalt  }
0x61: {  	_ =	shalt  }
0x62: {  	_ =	shalt  }
0x63: {  	_ =	shalt  }
0x64: {  	_ =	shalt  }
0x65: {  	_ =	shalt  }
0x66: {  	_ =	shalt  }
0x67: {  	_ =	shalt  }
0x68: {  	_ =	shalt  }
0x69: {  	_ =	shalt  }
0x6a: {  	_ =	shalt  }
0x6b: {  	_ =	shalt  }
0x6c: {  	_ =	shalt  }
0x6d: {  	_ =	shalt  }
0x6e: {  	_ =	shalt  }
0x6f: {  	_ =	shalt  }
0x70: {  	_ =	shalt  }
0x71: {  	_ =	shalt  }
0x72: {  	_ =	shalt  }
0x73: {  	_ =	shalt  }
0x74: {  	_ =	shalt  }
0x75: {  	_ =	shalt  }
0x76: {  	_ =	shalt  }
0x77: {  	_ =	shalt  }
0x78: {  	_ =	shalt  }
0x79: {  	_ =	shalt  }
0x7a: {  	_ =	shalt  }
0x7b: {  	_ =	shalt  }
0x7c: {  	_ =	shalt  }
0x7d: {  	_ =	shalt  }
0x7e: {  	_ =	shalt  }
0x7f: {  	_ =	shalt  }
0x80: {  	_ =	shalt  }
0x81: {  	_ =	shalt  }
0x82: {  	_ =	shalt  }
0x83: {  	_ =	shalt  }
0x84: {  	_ =	shalt  }
0x85: {  	_ =	shalt  }
0x86: {  	_ =	shalt  }
0x87: {  	_ =	shalt  }
.Lfunc_end0:
.L_simem_size_0:
called_computation_lowered:
.L_overlay_start_0:
0x88: {  	s2 =	sld [smem:$0x3FD9]  }
0x89: {  	s3 =	sld [smem:$0x3FFE];
	_ =	sdelay $0x1  }
0x8a: {  	s1 =	srdreg.scid  }
0x8b: {  	s0 =	sand.u32 $0x1, s1  }
0x8c: {  	s14 =	sshll.u32 s0, $0xA;
	s2 =	sadd.s32 s3, s2  }
0x8d: {  	s2 =	sadd.s32 s2, s14  }
0x8e: {  	[smem:$0x3FC6] =	sst s2  }
0x8f: {  	_ = 	snop  }
0x90: {  	s2 =	sld [smem:$0x3FD0];
	_ =	sdelay $0x2  }
0x91: {  	s15 =	simm.s32 $0xA;
	s4 =	simm.s32 $0x10  }
0x92: {  	[smem:s4], [sflag:s15] =	dma.local [hbm:s2], $0x1  }
0x93: {  	_ =	swait.eq [sflag:s15], $0x1  }
0x94: {  	[sflag:s15] =	ssyncset.done $0x0  }
0x95: {  	[sflag:s15] =	ssyncadd.s32 $0xFFFFFFFF  }
0x96: {  	s16 =	sld [smem:$0x11];
	(tm) =	ssettm $0x1  }
0x97: {  	s17 =	sld [smem:$0x3FFB];
	_ =	sdelay $0x3  }
0x98: {  	_ =	strace s17  }
0x99: {  	s3 =	sld [smem:$0x3FFC];
	_ =	sdelay $0x3  }
0x9a: {  	_ =	strace s3  }
0x9b: {  	s3 =	sld [smem:$0x3FFD];
	_ =	sdelay $0x3  }
0x9c: {  	_ =	strace s3  }
0x9d: {  	_ =	strace $0x8FFFFFFF  }
0x9e: {  	s18 =	sld [smem:$0x3FDB];
	_ =	sdelay $0x1  }
0x9f: {  	s19 =	simm.s32 $_scs_section_size  }
0xa0: {  	s5 =	simm.s32 $_size__tile_overlayer_lowered;
	s6 =	simm.s32 $_tile_overlayer_lowered  }
0xa1: {  	s22 =	simm.s32 $0x1BFF;
	s21 =	sshll.u32 s6, $0x1;
	s3 =	sadd.s32 s19, s18  }
0xa2: {  	s7 =	simm.s32 $0x0;
	s20 =	sshll.u32 s5, $0x1;
	s5 =	sadd.s32 s21, s3  }
0xa3: {  	[timem:s7], [sflag:s22] =	dma.local [hbm:s5], s20  }
0xa4: {  	_ =	swait.ge [sflag:s22], s20  }
0xa5: {  	s4 =	ssub.s32 $0x0, s20;
	[sflag:s22] =	ssyncset.done $0x0  }
0xa6: {  	[sflag:s22] =	ssyncadd.s32 s4;
	_ =	sdelay $0x1  }
0xa7: {  	s23 =	simm.s32 $0x1B8B  }
0xa8: {  	_ =	swait.ge [sflag:s23], $0x1  }
0xa9: {  	[sflag:s23] =	ssyncset.done $0x0  }
0xaa: {  	s25 =	simm.s32 $0x1B8E;
	s24 =	sld [smem:$0x3FFE];
	[sflag:s23] =	ssyncadd.s32 $0xFFFFFFFF  }
0xab: {  	s26 =	simm.s32 $execute0_lowered;
	[smem:$0x3FD2] =	sst s25  }
0xac: {  	s5 =	sshll.u32 s26, $0x1;
	_ =	strace $0x80000046;
	[dreg:$0x1] =	wrdreg $0xFFFFFFFF  }
0xad: {  	s28 =	simm.s32 $_size_execute0_lowered;
	s3 =	sadd.s32 s3, s5;
	[dreg:$0x0] =	wrdreg $0x0  }
0xae: {  	s5 =	sshll.u32 s28, $0x1;
	[dreg:$0x2] =	wrdreg s3  }
0xaf: {  	[dreg:$0x3] =	wrdreg s5  }
0xb0: {  	[dreg:$0x4] =	wrdreg $0xC0  }
0xb1: {  	_ =	task [dreg:s7], $0x5FFFF  }
0xb2: {  	[dreg:$0x1] =	wrdreg $0xFFFFFFFF  }
0xb3: {  	[dreg:$0x0] =	wrdreg $0x60  }
0xb4: {  	[dreg:$0x2] =	wrdreg s24  }
0xb5: {  	[dreg:$0x3] =	wrdreg s16  }
0xb6: {  	[dreg:$0x4] =	wrdreg $0x40800  }
0xb7: {  	[dreg:$0x5] =	wrdreg $0x9  }
0xb8: {  	_ =	task.clear_ibuf [dreg:s7], $0x6FFFF;
	_ =	strace $0x90000046  }
0xb9: {  	s29 =	simm.s32 $0x9;
	_ =	strace $0x80000048  }
0xba: {  	_ =	swait.ge [sflag:s29], $0x1  }
0xbb: {  	[sflag:s29] =	ssyncadd.s32 $0xFFFFFFFF  }
0xbc: {  	_ =	strace $0x90000048  }
0xbd: {  	_ =	sfence  }
0xbe: {  	s30 =	sld [smem:$0x0];
	_ =	sdelay $0x2  }
0xbf: {  	s31 =	sshll.u32 s1, $0xD;
	s1 =	sshrl.u32 s1, $0x2  }
0xc0: {  	s3 =	sand.u32 $0x4000, s31;
	s1 =	sadd.s32 s1, s30  }
0xc1: {  	s0 =	sor.u32 s3, s0;
	s1 =	sshll.u32 s1, $0x11  }
0xc2: {  	s0 =	sor.u32 s1, s0  }
0xc3: {  	s0 =	sadd.s32 $0x8F2B, s0  }
0xc4: {  	[sflag:s0] =	ssyncadd.remote.s32 $0x1  }
0xc5: {  	_ =	sfence.sel $0xFFFF  }
0xc6: {  	[dreg:$0x0] =	wrdreg $0xFFFFFFFF;
	(pc) =	sbr.abs _section_cstart, $3  }
0xc7: {  	[dreg:$0x1] =	wrdreg $0xFFFFFFFF  }
0xc8: {  	_ =	task.clear_ibuf [dreg:s7], $0x2FFFF;
	_ =	strace $0x9FFFFFFF  }
0xc9: {  	(tm) =	ssettm $0x7FFFFFFF  }
tec
execute0_lowered:
.L_overlay_start_1:
0x0: {  	(tag) =	ssettag $0x1  }
0x1: {  	s4 =	rddreg [dreg:$0x0]  }
0x2: {  	s11 =	rddreg [dreg:$0x1]  }
0x3: {  	s13 =	rddreg [dreg:$0x2]  }
0x4: {  	s0 =	rddreg [dreg:$0x3];
	s3 =	srdreg.scid  }
0x5: {  	s2 =	simm.s32 $0x0;
	s1 =	stileid.u32;
	s19 =	simm.s32 $0x6280  }
0x6: {  	s20 =	simm.s32 $0x6080;
	s21 =	simm.s32 $0x0;
	s5 =	sand.u32 $0x1, s3  }
0x7: {  	[smem:$0x7FF] =	sst s2;
	s14 =	sshll.u32 s1, $0x9;
	s3 =	sadd.s32 $0x400, s4  }
0x8: {  	s10 =	sadd.s32 $0x10400, s4;
	s9 =	sshll.u32 s1, $0xA;
	s18 =	sshll.u32 s1, $0xD  }
0x9: {  	s6 =	sshll.u32 s5, $0xD;
	_ =	strace $0x80000047;
	s7 =	ssub.s32 $0x2, s5  }
0xa: {  	s5 =	sshll.u32 s5, $0x9;
	s6 =	sor.u32 s14, s6;
	s8 =	sshrl.u32 s7, $0x1  }
0xb: {  	s12 =	sor.u32 s5, s9;
	s6 =	sshrl.u32 s6, $0x3;
	s16 =	ssub.s32 s7, s8  }
0xc: {  	s25 =	sshrl.u32 s12, $0x3;
	s5 =	sshll.u32 s12, $0x3;
	s26 =	sor.u32 $0x80, s12  }
0xd: {  	s29 =	sor.u32 $0x100, s12;
	s12 =	sor.u32 $0x180, s12;
	s15 =	sadd.s32 s6, s4  }
0xe: {  	s4 =	sadd.s32 s10, s25;
	s5 =	sadd.s32 s11, s5;
	s28 =	sshrl.u32 s26, $0x3  }
0xf: {  	s7 =	sshll.u32 s26, $0x3;
	s30 =	sshrl.u32 s29, $0x3;
	s17 =	sshll.u32 s29, $0x3  }
0x10: {  	s31 =	sshrl.u32 s12, $0x3;
	s12 =	sshll.u32 s12, $0x3;
	s6 =	sadd.s32 s10, s28  }
0x11: {  	s7 =	sadd.s32 s11, s7;
	s8 =	sadd.s32 s10, s30;
	s9 =	sadd.s32 s11, s17  }
0x12: {  	s10 =	sadd.s32 s10, s31;
	s11 =	sadd.s32 s11, s12;
	s12 =	sadd.s32 s18, s13  }
0x13: {  	s13 =	sadd.s32 s14, s13;
	s14 =	sadd.s32 $0x10C00, s15;
	s15 =	smax.u32 s16, $0x1  }
0x14: {  	v0 =	vimm.f32 $0.0e+00;
	v1 =	vimm.f32 $1.000000000e+00;
	s16 =	simm.s32 $0x2;
	s17 =	simm.s32 $0x80;
	s18 =	simm.s32 $0x2080  }
.LBB2_1:
0x15: {  	s22 =	simm.s32 $0x40;
	s23 =	simm.s32 $0x0  }
.LBB2_2:
0x16: {  	p0 =	sne.s32 s22, $0x7FC0;
	[tilespmem:s23+$0x2080] =	vst v0;
	s23 =	smov.u32 s22;
	s22 =	sadd.s32 $0x40, s22  }
.Ltmp0:
0x17: {  	(pc) =	sbr.rel @p0 .LBB2_2-.Ltmp0, $2  }
0x18: {  	_ =	sdelay $0x2  }
0x19: {  	s23 =	sshra.s32 s23, $0x2  }
0x1a: {  	[tilespmem:s23+$0x2080] =	vst v0  }
0x1b: {  	[tilespmem:s2], [sflag:$0x2] =	stream.linear.gather [hbm4b:s4+s2], $0x80, $0x38;
	[tilespmem:$0x6480] =	vst v63  }
0x1c: {  	_ =	swait.ge [sflag:s16], $0x80  }
0x1d: {  	[sflag:s16] =	ssyncset.done $0x0  }
0x1e: {  	s22 =	simm.s32 $0x1;
	[sflag:s16] =	ssyncadd.s32 $0xFFFFFF80  }
0x1f: {  	[tilespmem:s17], [sflag:$0x1] =	stream.indirect.gather [hbm4b:s3+s17], $0x40, s2, s17, $0xb8;
	[tilespmem:$0x6480] =	vst v63  }
0x20: {  	_ =	swait.ge [sflag:s22], $0x2000  }
0x21: {  	[sflag:s22] =	ssyncset.done $0x0  }
0x22: {  	[sflag:s22] =	ssyncadd.s32 $0xFFFFE000  }
0x23: {  	[hbm4b:s5+s2] =	stream.linear.scatter [tilespmem:s17], [sflag:$0x2], $0x2000, $0x38;
	[tilespmem:$0x6480] =	vst v63  }
0x24: {  	_ =	swait.ge [sflag:s16], $0x2000  }
0x25: {  	[sflag:s16] =	ssyncset.done $0x0  }
0x26: {  	[sflag:s16] =	ssyncadd.s32 $0xFFFFE000  }
0x27: {  	v2 =	vld [tilespmem:$0x0];
	_ =	sdelay $0x7  }
0x28: {  	[tilespmem:v2+s18+$0x0] =	vst.idx.add.f32.msk $0xffff, v1  }
0x29: {  	v2 =	vld [tilespmem:$0x10];
	_ =	sdelay $0x7  }
0x2a: {  	[tilespmem:v2+s18+$0x0] =	vst.idx.add.f32.msk $0xffff, v1  }
0x2b: {  	v2 =	vld [tilespmem:$0x20];
	_ =	sdelay $0x7  }
0x2c: {  	[tilespmem:v2+s18+$0x0] =	vst.idx.add.f32.msk $0xffff, v1  }
0x2d: {  	v2 =	vld [tilespmem:$0x30];
	_ =	sdelay $0x7  }
0x2e: {  	[tilespmem:v2+s18+$0x0] =	vst.idx.add.f32.msk $0xffff, v1  }
0x2f: {  	v2 =	vld [tilespmem:$0x40];
	_ =	sdelay $0x7  }
0x30: {  	[tilespmem:v2+s18+$0x0] =	vst.idx.add.f32.msk $0xffff, v1  }
0x31: {  	v2 =	vld [tilespmem:$0x50];
	_ =	sdelay $0x7  }
0x32: {  	[tilespmem:v2+s18+$0x0] =	vst.idx.add.f32.msk $0xffff, v1  }
0x33: {  	v2 =	vld [tilespmem:$0x60];
	_ =	sdelay $0x7  }
0x34: {  	[tilespmem:v2+s18+$0x0] =	vst.idx.add.f32.msk $0xffff, v1  }
0x35: {  	v2 =	vld [tilespmem:$0x70];
	_ =	sdelay $0x7  }
0x36: {  	[tilespmem:v2+s18+$0x0] =	vst.idx.add.f32.msk $0xffff, v1  }
0x37: {  	[tilespmem:s2], [sflag:$0x2] =	stream.linear.gather [hbm4b:s6+s2], $0x80, $0x38;
	[tilespmem:$0x6480] =	vst v63  }
0x38: {  	_ =	swait.ge [sflag:s16], $0x80  }
0x39: {  	[sflag:s16] =	ssyncset.done $0x0  }
0x3a: {  	[sflag:s16] =	ssyncadd.s32 $0xFFFFFF80  }
0x3b: {  	[tilespmem:s17], [sflag:$0x1] =	stream.indirect.gather [hbm4b:s3+s17], $0x40, s2, s17, $0xb8;
	[tilespmem:$0x6480] =	vst v63  }
0x3c: {  	_ =	swait.ge [sflag:s22], $0x2000  }
0x3d: {  	[sflag:s22] =	ssyncset.done $0x0  }
0x3e: {  	[sflag:s22] =	ssyncadd.s32 $0xFFFFE000  }
0x3f: {  	[hbm4b:s7+s2] =	stream.linear.scatter [tilespmem:s17], [sflag:$0x2], $0x2000, $0x38;
	[tilespmem:$0x6480] =	vst v63  }
0x40: {  	_ =	swait.ge [sflag:s16], $0x2000  }
0x41: {  	[sflag:s16] =	ssyncset.done $0x0  }
0x42: {  	[sflag:s16] =	ssyncadd.s32 $0xFFFFE000  }
0x43: {  	v2 =	vld [tilespmem:$0x0];
	_ =	sdelay $0x7  }
0x44: {  	[tilespmem:v2+s18+$0x0] =	vst.idx.add.f32.msk $0xffff, v1  }
0x45: {  	v2 =	vld [tilespmem:$0x10];
	_ =	sdelay $0x7  }
0x46: {  	[tilespmem:v2+s18+$0x0] =	vst.idx.add.f32.msk $0xffff, v1  }
0x47: {  	v2 =	vld [tilespmem:$0x20];
	_ =	sdelay $0x7  }
0x48: {  	[tilespmem:v2+s18+$0x0] =	vst.idx.add.f32.msk $0xffff, v1  }
0x49: {  	v2 =	vld [tilespmem:$0x30];
	_ =	sdelay $0x7  }
0x4a: {  	[tilespmem:v2+s18+$0x0] =	vst.idx.add.f32.msk $0xffff, v1  }
0x4b: {  	v2 =	vld [tilespmem:$0x40];
	_ =	sdelay $0x7  }
0x4c: {  	[tilespmem:v2+s18+$0x0] =	vst.idx.add.f32.msk $0xffff, v1  }
0x4d: {  	v2 =	vld [tilespmem:$0x50];
	_ =	sdelay $0x7  }
0x4e: {  	[tilespmem:v2+s18+$0x0] =	vst.idx.add.f32.msk $0xffff, v1  }
0x4f: {  	v2 =	vld [tilespmem:$0x60];
	_ =	sdelay $0x7  }
0x50: {  	[tilespmem:v2+s18+$0x0] =	vst.idx.add.f32.msk $0xffff, v1  }
0x51: {  	v2 =	vld [tilespmem:$0x70];
	_ =	sdelay $0x7  }
0x52: {  	[tilespmem:v2+s18+$0x0] =	vst.idx.add.f32.msk $0xffff, v1  }
0x53: {  	[tilespmem:s2], [sflag:$0x2] =	stream.linear.gather [hbm4b:s8+s2], $0x80, $0x38;
	[tilespmem:$0x6480] =	vst v63  }
0x54: {  	_ =	swait.ge [sflag:s16], $0x80  }
0x55: {  	[sflag:s16] =	ssyncset.done $0x0  }
0x56: {  	[sflag:s16] =	ssyncadd.s32 $0xFFFFFF80  }
0x57: {  	[tilespmem:s17], [sflag:$0x1] =	stream.indirect.gather [hbm4b:s3+s17], $0x40, s2, s17, $0xb8;
	[tilespmem:$0x6480] =	vst v63  }
0x58: {  	_ =	swait.ge [sflag:s22], $0x2000  }
0x59: {  	[sflag:s22] =	ssyncset.done $0x0  }
0x5a: {  	[sflag:s22] =	ssyncadd.s32 $0xFFFFE000  }
0x5b: {  	[hbm4b:s9+s2] =	stream.linear.scatter [tilespmem:s17], [sflag:$0x2], $0x2000, $0x38;
	[tilespmem:$0x6480] =	vst v63  }
0x5c: {  	_ =	swait.ge [sflag:s16], $0x2000  }
0x5d: {  	[sflag:s16] =	ssyncset.done $0x0  }
0x5e: {  	[sflag:s16] =	ssyncadd.s32 $0xFFFFE000  }
0x5f: {  	v2 =	vld [tilespmem:$0x0];
	_ =	sdelay $0x7  }
0x60: {  	[tilespmem:v2+s18+$0x0] =	vst.idx.add.f32.msk $0xffff, v1  }
0x61: {  	v2 =	vld [tilespmem:$0x10];
	_ =	sdelay $0x7  }
0x62: {  	[tilespmem:v2+s18+$0x0] =	vst.idx.add.f32.msk $0xffff, v1  }
0x63: {  	v2 =	vld [tilespmem:$0x20];
	_ =	sdelay $0x7  }
0x64: {  	[tilespmem:v2+s18+$0x0] =	vst.idx.add.f32.msk $0xffff, v1  }
0x65: {  	v2 =	vld [tilespmem:$0x30];
	_ =	sdelay $0x7  }
0x66: {  	[tilespmem:v2+s18+$0x0] =	vst.idx.add.f32.msk $0xffff, v1  }
0x67: {  	v2 =	vld [tilespmem:$0x40];
	_ =	sdelay $0x7  }
0x68: {  	[tilespmem:v2+s18+$0x0] =	vst.idx.add.f32.msk $0xffff, v1  }
0x69: {  	v2 =	vld [tilespmem:$0x50];
	_ =	sdelay $0x7  }
0x6a: {  	[tilespmem:v2+s18+$0x0] =	vst.idx.add.f32.msk $0xffff, v1  }
0x6b: {  	v2 =	vld [tilespmem:$0x60];
	_ =	sdelay $0x7  }
0x6c: {  	[tilespmem:v2+s18+$0x0] =	vst.idx.add.f32.msk $0xffff, v1  }
0x6d: {  	v2 =	vld [tilespmem:$0x70];
	_ =	sdelay $0x7  }
0x6e: {  	[tilespmem:v2+s18+$0x0] =	vst.idx.add.f32.msk $0xffff, v1  }
0x6f: {  	[tilespmem:s2], [sflag:$0x2] =	stream.linear.gather [hbm4b:s10+s2], $0x80, $0x38;
	[tilespmem:$0x6480] =	vst v63  }
0x70: {  	_ =	swait.ge [sflag:s16], $0x80  }
0x71: {  	[sflag:s16] =	ssyncset.done $0x0  }
0x72: {  	[sflag:s16] =	ssyncadd.s32 $0xFFFFFF80  }
0x73: {  	[tilespmem:s17], [sflag:$0x1] =	stream.indirect.gather [hbm4b:s3+s17], $0x40, s2, s17, $0xb8;
	[tilespmem:$0x6480] =	vst v63  }
0x74: {  	_ =	swait.ge [sflag:s22], $0x2000  }
0x75: {  	[sflag:s22] =	ssyncset.done $0x0  }
0x76: {  	[sflag:s22] =	ssyncadd.s32 $0xFFFFE000  }
0x77: {  	[hbm4b:s11+s2] =	stream.linear.scatter [tilespmem:s17], [sflag:$0x2], $0x2000, $0x38;
	[tilespmem:$0x6480] =	vst v63  }
0x78: {  	_ =	swait.ge [sflag:s16], $0x2000  }
0x79: {  	[sflag:s16] =	ssyncset.done $0x0  }
0x7a: {  	[sflag:s16] =	ssyncadd.s32 $0xFFFFE000  }
0x7b: {  	v2 =	vld [tilespmem:$0x0];
	_ =	sdelay $0x7  }
0x7c: {  	[tilespmem:v2+s18+$0x0] =	vst.idx.add.f32.msk $0xffff, v1  }
0x7d: {  	v2 =	vld [tilespmem:$0x10];
	_ =	sdelay $0x7  }
0x7e: {  	[tilespmem:v2+s18+$0x0] =	vst.idx.add.f32.msk $0xffff, v1  }
0x7f: {  	v2 =	vld [tilespmem:$0x20];
	_ =	sdelay $0x7  }
0x80: {  	[tilespmem:v2+s18+$0x0] =	vst.idx.add.f32.msk $0xffff, v1  }
0x81: {  	v2 =	vld [tilespmem:$0x30];
	_ =	sdelay $0x7  }
0x82: {  	[tilespmem:v2+s18+$0x0] =	vst.idx.add.f32.msk $0xffff, v1  }
0x83: {  	v2 =	vld [tilespmem:$0x40];
	_ =	sdelay $0x7  }
0x84: {  	[tilespmem:v2+s18+$0x0] =	vst.idx.add.f32.msk $0xffff, v1  }
0x85: {  	v2 =	vld [tilespmem:$0x50];
	_ =	sdelay $0x7  }
0x86: {  	[tilespmem:v2+s18+$0x0] =	vst.idx.add.f32.msk $0xffff, v1  }
0x87: {  	v2 =	vld [tilespmem:$0x60];
	_ =	sdelay $0x7  }
0x88: {  	[tilespmem:v2+s18+$0x0] =	vst.idx.add.f32.msk $0xffff, v1  }
0x89: {  	v2 =	vld [tilespmem:$0x70];
	_ =	sdelay $0x7  }
0x8a: {  	[tilespmem:v2+s18+$0x0] =	vst.idx.add.f32.msk $0xffff, v1  }
0x8b: {  	[bflag:$0x0] =	sbarrier.arrive $0xFFFF  }
0x8c: {  	[spmem:s12] =	stream.linear.scatter [tilespmem:s18], [sflag:$0x2], $0x2000, $0x38;
	[tilespmem:$0x6480] =	vst v63  }
0x8d: {  	_ =	swait.ge [sflag:s16], $0x2000  }
0x8e: {  	[sflag:s16] =	ssyncset.done $0x0  }
0x8f: {  	[sflag:s16] =	ssyncadd.s32 $0xFFFFE000  }
0x90: {  	[bflag:$0x0] =	sbarrier.arrive $0xFFFF  }
0x91: {  	[tilespmem:s19], [sflag:$0x2] =	stream.linear.gather [spmem:s13], $0x200, $0x38;
	[tilespmem:$0x6480] =	vst v63  }
0x92: {  	_ =	swait.ge [sflag:s16], $0x200  }
0x93: {  	[sflag:s16] =	ssyncset.done $0x0  }
0x94: {  	[sflag:s16] =	ssyncadd.s32 $0xFFFFFE00  }
.LBB2_4:
0x95: {  	s23 =	sshll.u32 s22, $0xD  }
0x96: {  	s23 =	sand.u32 $0x3FFFE000, s23  }
0x97: {  	s23 =	sadd.s32 s23, s13  }
0x98: {  	[tilespmem:s20], [sflag:$0x2] =	stream.linear.gather [spmem:s23], $0x200, $0x38;
	[tilespmem:$0x6480] =	vst v63  }
0x99: {  	_ =	swait.ge [sflag:s16], $0x200  }
0x9a: {  	[sflag:s16] =	ssyncset.done $0x0  }
0x9b: {  	s23 =	simm.s32 $0x0;
	[sflag:s16] =	ssyncadd.s32 $0xFFFFFE00  }
0x9c: {  	s24 =	simm.s32 $0x40;
	v2 =	vld [tilespmem:s23+$0x6080]  }
.LBB2_5:
0x9d: {  	p0 =	sne.s32 s24, $0x7C0;
	v3 =	vld [tilespmem:s23+$0x6280];
	_ =	sdelay $0x2  }
.Ltmp1:
0x9e: {  	(pc) =	sbr.rel @p0 .LBB2_5-.Ltmp1, $4  }
0x9f: {  	_ = 	snop  }
0xa0: {  	v3 =	vadd.f32 v2, v3  }
0xa1: {  	s25 =	sshra.s32 s24, $0x2  }
0xa2: {  	s24 =	sadd.s32 $0x40, s24;
	v2 =	vld [tilespmem:s25+$0x6080];
	[tilespmem:s23+$0x6280] =	vst v3;
	s23 =	smov.u32 s25  }
0xa3: {  	v3 =	vld [tilespmem:s23+$0x6280]  }
0xa4: {  	s22 =	sadd.s32 $0x1, s22  }
0xa5: {  	p0 =	sne.s32 s22, $0x10  }
.Ltmp2:
0xa6: {  	_ = 	snop;
	(pc) =	sbr.rel @p0 .LBB2_4-.Ltmp2, $3  }
0xa7: {  	_ = 	snop  }
0xa8: {  	v2 =	vadd.f32 v2, v3;
	_ =	sdelay $0x1  }
0xa9: {  	[tilespmem:s23+$0x6280] =	vst v2  }
0xaa: {  	s21 =	sadd.s32 $0x1, s21  }
0xab: {  	p0 =	sne.s32 s21, s15  }
.Ltmp3:
0xac: {  	_ = 	snop;
	(pc) =	sbr.rel @p0 .LBB2_1-.Ltmp3, $4  }
0xad: {  	[hbm4b:s14+s2] =	stream.linear.scatter [tilespmem:s19], [sflag:$0x2], $0x200, $0x38;
	[tilespmem:$0x6480] =	vst v63  }
0xae: {  	_ =	swait.ge [sflag:s16], $0x200  }
0xaf: {  	[sflag:s16] =	ssyncset.done $0x0  }
0xb0: {  	[sflag:s16] =	ssyncadd.s32 $0xFFFFFE00  }
0xb1: {  	_ =	sfence.sel $0x180000  }
0xb2: {  	[bflag:$0x0] =	sbarrier.arrive $0xFFFF  }
0xb3: {  	p0 =	sne.s32 s1, $0x0;
	_ =	strace $0x90000047  }
0xb4: {  	s0 =	sadd.s32 @!p0 $0x100000, s0;
	[bflag:$0x2] =	sbarrier.arrive $0xFFFF  }
0xb5: {  	[sflag:s0] =	ssyncadd.tile.s32 @!p0 $0x1;
	_ =	shalt  }
.Lfunc_end2:
_tile_overlayer_lowered:
.L_overlay_start_2:
0xb6: {  	(tag) =	ssettag $0x2  }
0xb7: {  	s0 =	rddreg [dreg:$0x0];
	s2 =	stileid.u32  }
0xb8: {  	s1 =	rddreg [dreg:$0x1];
	p0 =	sne.s32 s2, $0x0  }
0xb9: {  	s3 =	rddreg [dreg:$0x2];
	[bflag:$0x3] =	sbarrier.arrive $0xFFFF;
	s2 =	simm.s32 @!p0 $0x1C02  }
0xba: {  	[timem:s3], [sflag:s2] =	dma.local @!p0 [hbm:s0], s1  }
0xbb: {  	s0 =	simm.s32 @!p0 $0x2  }
0xbc: {  	_ =	swait.ge @!p0 [sflag:s0], s1  }
0xbd: {  	s1 =	ssub.s32 @!p0 $0x0, s1;
	[sflag:s0] =	ssyncset.done @!p0 $0x0  }
0xbe: {  	[sflag:s0] =	ssyncadd.s32 @!p0 s1  }
0xbf: {  	[bflag:$0x3] =	sbarrier.arrive $0xFFFF  }
0xc0: {  	_ =	shalt  }

</sc_bundles>
